<compile_context>
chip_gen: v7x
topology: tpu7x:2x2x1
jax: 0.10.2.dev20260603
libtpu: 0.0.44.dev20260713+nightly
codegen_flags: <defaults>
</compile_context>

<pallas_src>
import functools

import jax
import jax.numpy as jnp
import numpy as np
from jax import lax
from jax.experimental import pallas as pl
from jax.experimental.pallas import tpu as pltpu
from jax.experimental.pallas import tpu_sc as plsc

_L = 8
_T = 1024
_B_G = float(np.exp(np.log(20 * 0.5 / 2) / (_L - 1)))
_RES = [int(np.floor(2 * _B_G**l)) for l in range(_L)]
_C1 = np.int32(np.uint32(2654435761).astype(np.int32))
_C2 = np.int32(805459861)

_NW = 32
_CNK = 4096
_C1_2 = np.int32(np.uint32(2 * 2654435761 % (2**32)).astype(np.int32))
_C2_2 = np.int32(np.uint32(2 * 805459861 % (2**32)).astype(np.int32))


def _sc_encode(xs_a, ys_a, zs_a, grid_flat):
    n = xs_a.shape[0]
    npts = n // _NW
    nchunk = npts // _CNK
    mesh = plsc.VectorSubcoreMesh(core_axis_name="c", subcore_axis_name="s")

    @functools.partial(
        pl.kernel,
        out_type=jax.ShapeDtypeStruct((16, n), jnp.float32),
        mesh=mesh,
        scratch_types=[
            pltpu.VMEM((_L * _T * 2,), jnp.float32),
            pltpu.VMEM((_CNK,), jnp.float32),
            pltpu.VMEM((_CNK,), jnp.float32),
            pltpu.VMEM((_CNK,), jnp.float32),
            pltpu.VMEM((16, _CNK), jnp.float32),
        ],
        compiler_params=pltpu.CompilerParams(needs_layout_passes=False),
    )
    def enc(xs_hbm, ys_hbm, zs_hbm, grid_hbm, ft_hbm, gv, xv, yv, zv, fv):
        wid = lax.axis_index("s") * 2 + lax.axis_index("c")
        pltpu.sync_copy(grid_hbm, gv)
        base0 = wid * npts

        def chunk_body(ci, _):
            base = base0 + ci * _CNK
            pltpu.sync_copy(xs_hbm.at[pl.ds(base, _CNK)], xv)
            pltpu.sync_copy(ys_hbm.at[pl.ds(base, _CNK)], yv)
            pltpu.sync_copy(zs_hbm.at[pl.ds(base, _CNK)], zv)

            def pt_body(i, _):
                sl = pl.ds(i * 16, 16)
                xs = xv[sl]
                ys = yv[sl]
                zs = zv[sl]
                for l in range(_L):
                    res = float(_RES[l])
                    loff = l * _T * 2
                    px = xs * res
                    py = ys * res
                    pz = zs * res
                    ix = px.astype(jnp.int32)
                    iy = py.astype(jnp.int32)
                    iz = pz.astype(jnp.int32)
                    wx1 = px - ix.astype(jnp.float32)
                    wy1 = py - iy.astype(jnp.float32)
                    wz1 = pz - iz.astype(jnp.float32)
                    hy0 = iy * _C1
                    hz0 = iz * _C2
                    hx = (ix, ix + 1)
                    hy = (hy0, hy0 + _C1)
                    hz = (hz0, hz0 + _C2)
                    wxs = (1.0 - wx1, wx1)
                    wys = (1.0 - wy1, wy1)
                    wzs = (1.0 - wz1, wz1)
                    acc0 = None
                    acc1 = None
                    for dx in (0, 1):
                        for dy in (0, 1):
                            hxy = hx[dx] ^ hy[dy]
                            wxy = wxs[dx] * wys[dy]
                            for dz in (0, 1):
                                idx = ((hxy ^ hz[dz]) & (_T - 1)) | loff
                                g0 = plsc.load_gather(gv, [idx])
                                g1 = plsc.load_gather(gv, [idx + _T])
                                w = wxy * wzs[dz]
                                if acc0 is None:
                                    acc0 = w * g0
                                    acc1 = w * g1
                                else:
                                    acc0 = acc0 + w * g0
                                    acc1 = acc1 + w * g1
                    fv[2 * l, sl] = acc0
                    fv[2 * l + 1, sl] = acc1
                return 0

            lax.fori_loop(0, _CNK // 16, pt_body, 0)
            pltpu.sync_copy(fv, ft_hbm.at[:, pl.ds(base, _CNK)])
            return 0

        lax.fori_loop(0, nchunk, chunk_body, 0)

    return enc(xs_a, ys_a, zs_a, grid_flat)


def _mlp_body(ft_ref, w1_ref, w2_ref, r1_ref, r2_ref, r3_ref, o_ref):
    f32 = jnp.float32
    cn = (((0,), (0,)), ((), ()))
    ft = ft_ref[...]
    t = lax.dot_general(w1_ref[...], ft, cn,
                        preferred_element_type=f32)
    t = jnp.maximum(t, 0.0)
    w21 = jnp.dot(w2_ref[...], r1_ref[...], preferred_element_type=f32)
    r = jnp.maximum(lax.dot_general(w21, t, cn,
                                    preferred_element_type=f32), 0.0)
    r = jnp.maximum(lax.dot_general(r2_ref[...], r, cn,
                                    preferred_element_type=f32), 0.0)
    o_ref[...] = jax.nn.sigmoid(
        lax.dot_general(r3_ref[...], r, cn, preferred_element_type=f32))


def _mlp(ft, W1, W2, R1, R2, R3, nb=16384):
    n = ft.shape[1]
    full = lambda a: pl.BlockSpec(a.shape, lambda i: (0,) * a.ndim)
    return pl.pallas_call(
        _mlp_body,
        grid=(n // nb,),
        in_specs=[
            pl.BlockSpec((16, nb), lambda i: (0, i)),
            full(W1), full(W2), full(R1), full(R2), full(R3),
        ],
        out_specs=pl.BlockSpec((1, nb), lambda i: (0, i)),
        out_shape=jax.ShapeDtypeStruct((1, n), jnp.float32),
    )(ft, W1, W2, R1, R2, R3)


@jax.jit
def _run(x, grid, W1, W2, R1, R2, R3):
    n = x.shape[0]
    npiece = 4
    h = n // npiece
    gf = grid.transpose(0, 2, 1).reshape(-1)
    fts = [
        _sc_encode(x[i * h:(i + 1) * h, 0], x[i * h:(i + 1) * h, 1],
                   x[i * h:(i + 1) * h, 2], gf)
        for i in range(npiece)
    ]
    outs = [_mlp(ft, W1, W2, R1, R2, R3) for ft in fts]
    return jnp.concatenate(outs, axis=1).reshape(n, 1)


def kernel(x, grid, W1, W2, R1, R2, R3):
    return _run(x, grid, W1, W2, R1, R2, R3)

# --- scband reference (transcript-rebuilt; emitter-appended) ---
"""Pipeline reference for scband-ngp-2619930051147 (READ-ONLY COPY).

The authoritative reference and input builder live on the scoring server;
editing this copy changes nothing except your own understanding.
"""

import jax, jax.numpy as jnp
import numpy as np

L = 8
F = 2
T = 1024  # 2**10 hashmap size
N_MIN = 2
SCALE = 0.5
B_GROWTH = float(np.exp(np.log(20 * SCALE / N_MIN) / (L - 1)))


def _hash(coords):
    # coords: (N, 3) int32, non-negative. tcnn spatial hash with primes.
    c = coords.astype(jnp.uint32)
    h = (c[:, 0] * jnp.uint32(1)) ^ (c[:, 1] * jnp.uint32(2654435761)) ^ (c[:, 2] * jnp.uint32(805459861))
    return (h % jnp.uint32(T)).astype(jnp.int32)


def grid_encode(x, grid):
    # x: (N, 3) in [0, 1]; grid: (L, T, F) hash tables
    feats = []
    for l in range(L):
        res = int(np.floor(N_MIN * (B_GROWTH ** l)))
        pos = x * res
        p0f = jnp.floor(pos)
        w = pos - p0f
        p0 = p0f.astype(jnp.int32)
        f = jnp.zeros((x.shape[0], F), dtype=x.dtype)
        for dx in (0, 1):
            for dy in (0, 1):
                for dz in (0, 1):
                    off = jnp.array([dx, dy, dz], dtype=jnp.int32)
                    idx = _hash(p0 + off[None, :])
                    wx = w[:, 0] if dx else 1.0 - w[:, 0]
                    wy = w[:, 1] if dy else 1.0 - w[:, 1]
                    wz = w[:, 2] if dz else 1.0 - w[:, 2]
                    f = f + (wx * wy * wz)[:, None] * grid[l][idx]
        feats.append(f)
    return jnp.concatenate(feats, axis=-1)  # (N, L*F) = (N, 16)


def setup_inputs(seed: int = 0) -> dict:
    key = jax.random.key(seed)
    ks = jax.random.split(key, 7)
    N = 262144
    x = jax.random.uniform(ks[0], (N, 3), dtype=jnp.float32)
    # hash grid features init small, as tcnn does (uniform in [-1e-4, 1e-4])
    grid = jax.random.uniform(ks[1], (L, T, F), jnp.float32, -1e-4, 1e-4)
    # tcnn FullyFusedMLP: no biases. xyz_encoder MLP: 16 -> 64 (relu) -> 16
    W1 = jax.random.normal(ks[2], (16, 64), dtype=jnp.float32) * 0.25
    W2 = jax.random.normal(ks[3], (64, 16), dtype=jnp.float32) * 0.125
    # rgb_net: 16 -> 64 (relu) -> 64 (relu) -> 1 (sigmoid)
    R1 = jax.random.normal(ks[4], (16, 64), dtype=jnp.float32) * 0.25
    R2 = jax.random.normal(ks[5], (64, 64), dtype=jnp.float32) * 0.125
    R3 = jax.random.normal(ks[6], (64, 1), dtype=jnp.float32) * 0.125
    return {"x": x, "grid": grid, "W1": W1, "W2": W2, "R1": R1, "R2": R2, "R3": R3}


def reference(x, grid, W1, W2, R1, R2, R3):
    h = grid_encode(x, grid)
    h = jax.nn.relu(h @ W1)
    h = h @ W2  # xyz_encoder output, output_activation='None'
    r = jax.nn.relu(h @ R1)
    r = jax.nn.relu(r @ R2)
    rgbs = jax.nn.sigmoid(r @ R3)
    return rgbs

if __name__ == "__main__":
    import jax
    _d = setup_inputs()
    print(jax.jit(kernel)(*tuple(_d.values())))

</pallas_src>

<mosaic_0001>
#map = affine_map<(d0, d1) -> (0)>
#map1 = affine_map<(d0, d1) -> (0, 0)>
module attributes {stable_mosaic.version = 14 : i64} {
  func.func @enc(%arg0: i32, %arg1: i32, %arg2: memref<65536xf32, #tpu.memory_space<hbm>>, %arg3: memref<65536xf32, #tpu.memory_space<hbm>>, %arg4: memref<65536xf32, #tpu.memory_space<hbm>>, %arg5: memref<16384xf32, #tpu.memory_space<hbm>>, %arg6: memref<16x65536xf32, #tpu.memory_space<hbm>>, %arg7: memref<16384xf32, #tpu.memory_space<vmem>>, %arg8: memref<4096xf32, #tpu.memory_space<vmem>>, %arg9: memref<4096xf32, #tpu.memory_space<vmem>>, %arg10: memref<4096xf32, #tpu.memory_space<vmem>>, %arg11: memref<16x4096xf32, #tpu.memory_space<vmem>>) attributes {dimension_semantics = [#tpu.dimension_semantics<core_parallel>, #tpu.dimension_semantics<subcore_parallel>], iteration_bounds = array<i64: 2, 16>, scalar_prefetch = 0 : i64, scratch_operands = 5 : i64, tpu.core_type = #tpu.core_type<sc_vector_subcore>, window_params = [{transform_indices = #map}, {transform_indices = #map}, {transform_indices = #map}, {transform_indices = #map}, {transform_indices = #map1}]} {
    %mul3A = arith.constant 2 : i32
    %mul3A_0 = arith.muli %arg1, %mul3A : i32
    %add3A = arith.addi %mul3A_0, %arg0 : i32
    "tpu.region"() ({
      %run_scoped3A = tpu.sem_alloc : memref<!tpu.dma_semaphore, #tpu.memory_space<semaphore_mem>>
      tpu.enqueue_dma source(%arg5 : memref<16384xf32, #tpu.memory_space<hbm>>) target(%arg7 : memref<16384xf32, #tpu.memory_space<vmem>>) target_semaphore(%run_scoped3A : memref<!tpu.dma_semaphore, #tpu.memory_space<semaphore_mem>>)
      tpu.wait_dma2 semaphore(%run_scoped3A : memref<!tpu.dma_semaphore, #tpu.memory_space<semaphore_mem>>) src(%arg5 : memref<16384xf32, #tpu.memory_space<hbm>>) dst(%arg7 : memref<16384xf32, #tpu.memory_space<vmem>>)
      tpu.yield
    }) : () -> ()
    %mul3A_1 = arith.constant 2048 : i32
    %mul3A_2 = arith.muli %add3A, %mul3A_1 : i32
    %scan3A = arith.constant 0 : i32
    %scan3A_3 = arith.constant 0 : i32
    %scan3A_4 = arith.constant 0 : i32
    %scan3A_5 = arith.addi %scan3A_3, %scan3A_4 : i32
    %scan3A_6 = arith.constant 0 : i32
    return
  }
}

#map = affine_map<(d0, d1) -> (0)>
#map1 = affine_map<(d0, d1) -> (0, 0)>
module attributes {stable_mosaic.version = 14 : i64} {
  func.func @enc(%arg0: i32, %arg1: i32, %arg2: memref<65536xf32, #tpu.memory_space<hbm>>, %arg3: memref<65536xf32, #tpu.memory_space<hbm>>, %arg4: memref<65536xf32, #tpu.memory_space<hbm>>, %arg5: memref<16384xf32, #tpu.memory_space<hbm>>, %arg6: memref<16x65536xf32, #tpu.memory_space<hbm>>, %arg7: memref<16384xf32, #tpu.memory_space<vmem>>, %arg8: memref<4096xf32, #tpu.memory_space<vmem>>, %arg9: memref<4096xf32, #tpu.memory_space<vmem>>, %arg10: memref<4096xf32, #tpu.memory_space<vmem>>, %arg11: memref<16x4096xf32, #tpu.memory_space<vmem>>) attributes {dimension_semantics = [#tpu.dimension_semantics<core_parallel>, #tpu.dimension_semantics<subcore_parallel>], iteration_bounds = array<i64: 2, 16>, scalar_prefetch = 0 : i64, scratch_operands = 5 : i64, tpu.core_type = #tpu.core_type<sc_vector_subcore>, window_params = [{transform_indices = #map}, {transform_indices = #map}, {transform_indices = #map}, {transform_indices = #map}, {transform_indices = #map1}]} {
    %mul3A = arith.constant 2 : i32
    %mul3A_0 = arith.muli %arg1, %mul3A : i32
    %add3A = arith.addi %mul3A_0, %arg0 : i32
    "tpu.region"() ({
      %run_scoped3A = tpu.sem_alloc : memref<!tpu.dma_semaphore, #tpu.memory_space<semaphore_mem>>
      tpu.enqueue_dma source(%arg5 : memref<16384xf32, #tpu.memory_space<hbm>>) target(%arg7 : memref<16384xf32, #tpu.memory_space<vmem>>) target_semaphore(%run_scoped3A : memref<!tpu.dma_semaphore, #tpu.memory_space<semaphore_mem>>)
      tpu.wait_dma2 semaphore(%run_scoped3A : memref<!tpu.dma_semaphore, #tpu.memory_space<semaphore_mem>>) src(%arg5 : memref<16384xf32, #tpu.memory_space<hbm>>) dst(%arg7 : memref<16384xf32, #tpu.memory_space<vmem>>)
      tpu.yield
    }) : () -> ()
    %mul3A_1 = arith.constant 2048 : i32
    %mul3A_2 = arith.muli %add3A, %mul3A_1 : i32
    %scan3A = arith.constant 0 : i32
    %scan3A_3 = arith.constant 0 : i32
    %scan3A_4 = arith.constant 0 : i32
    %scan3A_5 = arith.addi %scan3A_3, %scan3A_4 : i32
    %scan3A_6 = arith.constant 0 : i32
    return
  }
}

#map = affine_map<(d0, d1) -> (0)>
#map1 = affine_map<(d0, d1) -> (0, 0)>
module attributes {stable_mosaic.version = 14 : i64} {
  func.func @enc(%arg0: i32, %arg1: i32, %arg2: memref<65536xf32, #tpu.memory_space<hbm>>, %arg3: memref<65536xf32, #tpu.memory_space<hbm>>, %arg4: memref<65536xf32, #tpu.memory_space<hbm>>, %arg5: memref<16384xf32, #tpu.memory_space<hbm>>, %arg6: memref<16x65536xf32, #tpu.memory_space<hbm>>, %arg7: memref<16384xf32, #tpu.memory_space<vmem>>, %arg8: memref<4096xf32, #tpu.memory_space<vmem>>, %arg9: memref<4096xf32, #tpu.memory_space<vmem>>, %arg10: memref<4096xf32, #tpu.memory_space<vmem>>, %arg11: memref<16x4096xf32, #tpu.memory_space<vmem>>) attributes {dimension_semantics = [#tpu.dimension_semantics<core_parallel>, #tpu.dimension_semantics<subcore_parallel>], iteration_bounds = array<i64: 2, 16>, scalar_prefetch = 0 : i64, scratch_operands = 5 : i64, tpu.core_type = #tpu.core_type<sc_vector_subcore>, window_params = [{transform_indices = #map}, {transform_indices = #map}, {transform_indices = #map}, {transform_indices = #map}, {transform_indices = #map1}]} {
    %mul3A = arith.constant 2 : i32
    %mul3A_0 = arith.muli %arg1, %mul3A : i32
    %add3A = arith.addi %mul3A_0, %arg0 : i32
    "tpu.region"() ({
      %run_scoped3A = tpu.sem_alloc : memref<!tpu.dma_semaphore, #tpu.memory_space<semaphore_mem>>
      tpu.enqueue_dma source(%arg5 : memref<16384xf32, #tpu.memory_space<hbm>>) target(%arg7 : memref<16384xf32, #tpu.memory_space<vmem>>) target_semaphore(%run_scoped3A : memref<!tpu.dma_semaphore, #tpu.memory_space<semaphore_mem>>)
      tpu.wait_dma2 semaphore(%run_scoped3A : memref<!tpu.dma_semaphore, #tpu.memory_space<semaphore_mem>>) src(%arg5 : memref<16384xf32, #tpu.memory_space<hbm>>) dst(%arg7 : memref<16384xf32, #tpu.memory_space<vmem>>)
      tpu.yield
    }) : () -> ()
    %mul3A_1 = arith.constant 2048 : i32
    %mul3A_2 = arith.muli %add3A, %mul3A_1 : i32
    %scan3A = arith.constant 0 : i32
    %scan3A_3 = arith.constant 0 : i32
    %scan3A_4 = arith.constant 0 : i32
    %scan3A_5 = arith.addi %scan3A_3, %scan3A_4 : i32
    %scan3A_6 = arith.constant 0 : i32
    return
  }
}

#map = affine_map<(d0, d1) -> (0)>
#map1 = affine_map<(d0, d1) -> (0, 0)>
module attributes {stable_mosaic.version = 14 : i64} {
  func.func @enc(%arg0: i32, %arg1: i32, %arg2: memref<65536xf32, #tpu.memory_space<hbm>>, %arg3: memref<65536xf32, #tpu.memory_space<hbm>>, %arg4: memref<65536xf32, #tpu.memory_space<hbm>>, %arg5: memref<16384xf32, #tpu.memory_space<hbm>>, %arg6: memref<16x65536xf32, #tpu.memory_space<hbm>>, %arg7: memref<16384xf32, #tpu.memory_space<vmem>>, %arg8: memref<4096xf32, #tpu.memory_space<vmem>>, %arg9: memref<4096xf32, #tpu.memory_space<vmem>>, %arg10: memref<4096xf32, #tpu.memory_space<vmem>>, %arg11: memref<16x4096xf32, #tpu.memory_space<vmem>>) attributes {dimension_semantics = [#tpu.dimension_semantics<core_parallel>, #tpu.dimension_semantics<subcore_parallel>], iteration_bounds = array<i64: 2, 16>, scalar_prefetch = 0 : i64, scratch_operands = 5 : i64, tpu.core_type = #tpu.core_type<sc_vector_subcore>, window_params = [{transform_indices = #map}, {transform_indices = #map}, {transform_indices = #map}, {transform_indices = #map}, {transform_indices = #map1}]} {
    %mul3A = arith.constant 2 : i32
    %mul3A_0 = arith.muli %arg1, %mul3A : i32
    %add3A = arith.addi %mul3A_0, %arg0 : i32
    "tpu.region"() ({
      %run_scoped3A = tpu.sem_alloc : memref<!tpu.dma_semaphore, #tpu.memory_space<semaphore_mem>>
      tpu.enqueue_dma source(%arg5 : memref<16384xf32, #tpu.memory_space<hbm>>) target(%arg7 : memref<16384xf32, #tpu.memory_space<vmem>>) target_semaphore(%run_scoped3A : memref<!tpu.dma_semaphore, #tpu.memory_space<semaphore_mem>>)
      tpu.wait_dma2 semaphore(%run_scoped3A : memref<!tpu.dma_semaphore, #tpu.memory_space<semaphore_mem>>) src(%arg5 : memref<16384xf32, #tpu.memory_space<hbm>>) dst(%arg7 : memref<16384xf32, #tpu.memory_space<vmem>>)
      tpu.yield
    }) : () -> ()
    %mul3A_1 = arith.constant 2048 : i32
    %mul3A_2 = arith.muli %add3A, %mul3A_1 : i32
    %scan3A = arith.constant 0 : i32
    %scan3A_3 = arith.constant 0 : i32
    %scan3A_4 = arith.constant 0 : i32
    %scan3A_5 = arith.addi %scan3A_3, %scan3A_4 : i32
    %scan3A_6 = arith.constant 0 : i32
    return
  }
}

module attributes {stable_mosaic.version = 14 : i64} {
  func.func @_mlp_body(%arg0: i32, %arg1: memref<16x16384xf32, #tpu.memory_space<vmem>>, %arg2: memref<16x64xf32, #tpu.memory_space<vmem>>, %arg3: memref<64x16xf32, #tpu.memory_space<vmem>>, %arg4: memref<16x64xf32, #tpu.memory_space<vmem>>, %arg5: memref<64x64xf32, #tpu.memory_space<vmem>>, %arg6: memref<64x1xf32, #tpu.memory_space<vmem>>, %arg7: memref<1x16384xf32, #tpu.memory_space<vmem>>) attributes {dimension_semantics = [#tpu.dimension_semantics<arbitrary>], iteration_bounds = array<i64: 4>, scalar_prefetch = 0 : i64, scratch_operands = 0 : i64, tpu.core_type = #tpu.core_type<tc>, window_params = [{transform_indices = @transform_0, window_bounds = array<i64: 16, 16384>}, {pipeline_mode = #tpu.pipeline_mode<synchronous>, transform_indices = @transform_1, window_bounds = array<i64: 16, 64>}, {pipeline_mode = #tpu.pipeline_mode<synchronous>, transform_indices = @transform_2, window_bounds = array<i64: 64, 16>}, {pipeline_mode = #tpu.pipeline_mode<synchronous>, transform_indices = @transform_3, window_bounds = array<i64: 16, 64>}, {pipeline_mode = #tpu.pipeline_mode<synchronous>, transform_indices = @transform_4, window_bounds = array<i64: 64, 64>}, {pipeline_mode = #tpu.pipeline_mode<synchronous>, transform_indices = @transform_5, window_bounds = array<i64: 64, 1>}, {transform_indices = @transform_6, window_bounds = array<i64: 1, 16384>}]} {
    %get3A = arith.constant 0 : index
    %get3A_0 = arith.constant 0 : index
    %get3A_1 = vector.load %arg1[%get3A, %get3A_0] : memref<16x16384xf32, #tpu.memory_space<vmem>>, vector<16x16384xf32>
    %get3A_2 = arith.constant 0 : index
    %get3A_3 = arith.constant 0 : index
    %get3A_4 = vector.load %arg2[%get3A_2, %get3A_3] : memref<16x64xf32, #tpu.memory_space<vmem>>, vector<16x64xf32>
    %dot_general3A = arith.constant dense<0.000000e+00> : vector<64x16384xf32>
    %dot_general3A_5 = tpu.matmul %get3A_4, %get3A_1, %dot_general3A {dimension_numbers = #tpu.dot_dimension_numbers<[0], [0], [1], [1], [0, 1, 1, 1], [], []>, transpose_lhs_hint = false} : vector<16x64xf32>, vector<16x16384xf32>, vector<64x16384xf32> -> vector<64x16384xf32>
    %max3A = arith.constant 0.000000e+00 : f32
    %max3A_6 = vector.broadcast %max3A : f32 to vector<64x16384xf32>
    %max3A_7 = arith.maximumf %dot_general3A_5, %max3A_6 : vector<64x16384xf32>
    %get3A_8 = arith.constant 0 : index
    %get3A_9 = arith.constant 0 : index
    %get3A_10 = vector.load %arg3[%get3A_8, %get3A_9] : memref<64x16xf32, #tpu.memory_space<vmem>>, vector<64x16xf32>
    %get3A_11 = arith.constant 0 : index
    %get3A_12 = arith.constant 0 : index
    %get3A_13 = vector.load %arg4[%get3A_11, %get3A_12] : memref<16x64xf32, #tpu.memory_space<vmem>>, vector<16x64xf32>
    %dot_general3A_14 = arith.constant dense<0.000000e+00> : vector<64x64xf32>
    %dot_general3A_15 = tpu.matmul %get3A_10, %get3A_13, %dot_general3A_14 {dimension_numbers = #tpu.dot_dimension_numbers<[1], [0], [0], [1], [0, 0, 1, 1], [], []>, transpose_lhs_hint = false} : vector<64x16xf32>, vector<16x64xf32>, vector<64x64xf32> -> vector<64x64xf32>
    %dot_general3A_16 = arith.constant dense<0.000000e+00> : vector<64x16384xf32>
    %dot_general3A_17 = tpu.matmul %dot_general3A_15, %max3A_7, %dot_general3A_16 {dimension_numbers = #tpu.dot_dimension_numbers<[0], [0], [1], [1], [0, 1, 1, 1], [], []>, transpose_lhs_hint = false} : vector<64x64xf32>, vector<64x16384xf32>, vector<64x16384xf32> -> vector<64x16384xf32>
    %max3A_18 = arith.constant 0.000000e+00 : f32
    %max3A_19 = vector.broadcast %max3A_18 : f32 to vector<64x16384xf32>
    %max3A_20 = arith.maximumf %dot_general3A_17, %max3A_19 : vector<64x16384xf32>
    %get3A_21 = arith.constant 0 : index
    %get3A_22 = arith.constant 0 : index
    %get3A_23 = vector.load %arg5[%get3A_21, %get3A_22] : memref<64x64xf32, #tpu.memory_space<vmem>>, vector<64x64xf32>
    %dot_general3A_24 = arith.constant dense<0.000000e+00> : vector<64x16384xf32>
    %dot_general3A_25 = tpu.matmul %get3A_23, %max3A_20, %dot_general3A_24 {dimension_numbers = #tpu.dot_dimension_numbers<[0], [0], [1], [1], [0, 1, 1, 1], [], []>, transpose_lhs_hint = false} : vector<64x64xf32>, vector<64x16384xf32>, vector<64x16384xf32> -> vector<64x16384xf32>
    %max3A_26 = arith.constant 0.000000e+00 : f32
    %max3A_27 = vector.broadcast %max3A_26 : f32 to vector<64x16384xf32>
    %max3A_28 = arith.maximumf %dot_general3A_25, %max3A_27 : vector<64x16384xf32>
    %get3A_29 = arith.constant 0 : index
    %get3A_30 = arith.constant 0 : index
    %get3A_31 = vector.load %arg6[%get3A_29, %get3A_30] : memref<64x1xf32, #tpu.memory_space<vmem>>, vector<64x1xf32>
    %dot_general3A_32 = arith.constant dense<0.000000e+00> : vector<1x16384xf32>
    %dot_general3A_33 = tpu.matmul %get3A_31, %max3A_28, %dot_general3A_32 {dimension_numbers = #tpu.dot_dimension_numbers<[0], [0], [1], [1], [0, 1, 1, 1], [], []>, transpose_lhs_hint = false} : vector<64x1xf32>, vector<64x16384xf32>, vector<1x16384xf32> -> vector<1x16384xf32>
    %logistic3A = arith.negf %dot_general3A_33 : vector<1x16384xf32>
    %logistic3A_34 = math.exp %logistic3A : vector<1x16384xf32>
    %logistic3A_35 = arith.constant 1.000000e+00 : f32
    %logistic3A_36 = vector.broadcast %logistic3A_35 : f32 to vector<1x16384xf32>
    %logistic3A_37 = arith.addf %logistic3A_36, %logistic3A_34 : vector<1x16384xf32>
    %logistic3A_38 = arith.divf %logistic3A_36, %logistic3A_37 : vector<1x16384xf32>
    %swap3A = arith.constant 0 : index
    %swap3A_39 = arith.constant 0 : index
    %swap3A_40 = vector.load %arg7[%swap3A, %swap3A_39] : memref<1x16384xf32, #tpu.memory_space<vmem>>, vector<1x16384xf32>
    tpu.vector_store %arg7[%swap3A, %swap3A_39], %logistic3A_38 {strides = array<i32>} : memref<1x16384xf32, #tpu.memory_space<vmem>>, vector<1x16384xf32>,
    return
  }
  func.func @transform_0(%arg0: i32) -> (i32, i32) {
    %c0_i32 = arith.constant 0 : i32
    %c0_i32_0 = arith.constant 0 : i32
    return %c0_i32, %arg0 : i32, i32
  }
  func.func @transform_1(%arg0: i32) -> (i32, i32) {
    %c0_i32 = arith.constant 0 : i32
    %c0_i32_0 = arith.constant 0 : i32
    %c0_i32_1 = arith.constant 0 : i32
    return %c0_i32, %c0_i32_0 : i32, i32
  }
  func.func @transform_2(%arg0: i32) -> (i32, i32) {
    %c0_i32 = arith.constant 0 : i32
    %c0_i32_0 = arith.constant 0 : i32
    %c0_i32_1 = arith.constant 0 : i32
    return %c0_i32, %c0_i32_0 : i32, i32
  }
  func.func @transform_3(%arg0: i32) -> (i32, i32) {
    %c0_i32 = arith.constant 0 : i32
    %c0_i32_0 = arith.constant 0 : i32
    %c0_i32_1 = arith.constant 0 : i32
    return %c0_i32, %c0_i32_0 : i32, i32
  }
  func.func @transform_4(%arg0: i32) -> (i32, i32) {
    %c0_i32 = arith.constant 0 : i32
    %c0_i32_0 = arith.constant 0 : i32
    %c0_i32_1 = arith.constant 0 : i32
    return %c0_i32, %c0_i32_0 : i32, i32
  }
  func.func @transform_5(%arg0: i32) -> (i32, i32) {
    %c0_i32 = arith.constant 0 : i32
    %c0_i32_0 = arith.constant 0 : i32
    %c0_i32_1 = arith.constant 0 : i32
    return %c0_i32, %c0_i32_0 : i32, i32
  }
  func.func @transform_6(%arg0: i32) -> (i32, i32) {
    %c0_i32 = arith.constant 0 : i32
    %c0_i32_0 = arith.constant 0 : i32
    return %c0_i32, %arg0 : i32, i32
  }
}

</mosaic_0001>

<sc_bundles>
// kernel: _run.10.cloned.1.call-start
scs
__scs_entry_jumppad:
0x0: {  	(pc) =	sbr.rel $0x88, $3  }
0x1: {  	(tag) =	ssettag $0x0;
	lr =	simm.s32 $0x1  }
0x2: {  	[smem:$0x3F9A] =	sst lr;
	_ =	strace $0xD0000000  }
0x3: {  	_ = 	snop  }
0x4: {  	_ = 	snop  }
0x5: {  	_ = 	snop  }
0x6: {  	_ = 	snop  }
0x7: {  	_ = 	snop  }
__scs_overlays_trampoline_lowered:
0x8: {  	[smem:$0x3FA9] =	sst s0  }
0x9: {  	[smem:$0x3FAA] =	sst s1  }
0xa: {  	[smem:$0x3FAB] =	sst s2  }
0xb: {  	[smem:$0x3FAC] =	sst s3  }
0xc: {  	[smem:$0x3FAD] =	sst s4  }
0xd: {  	[smem:$0x3FAE] =	sst s5  }
0xe: {  	[smem:$0x3FAF] =	sst s6  }
0xf: {  	[smem:$0x3FB0] =	sst s7  }
0x10: {  	[smem:$0x3FB1] =	sst s8  }
0x11: {  	[smem:$0x3FB2] =	sst s9;
	s0 =	simm.s32 @!p0 $0x0  }
0x12: {  	s1 =	sld [smem:$0x3F98];
	s0 =	simm.s32 @p0 $0x1  }
0x13: {  	[smem:$0x3FB3] =	sst s0;
	s0 =	simm.s32 @!p1 $0x0  }
0x14: {  	s2 =	sld [smem:$0x3F97];
	s0 =	simm.s32 @p1 $0x1  }
0x15: {  	[smem:$0x3FB4] =	sst s0;
	s0 =	simm.s32 @!p2 $0x0  }
0x16: {  	s3 =	sld [smem:$0x3FDB];
	s0 =	simm.s32 @p2 $0x1  }
0x17: {  	s4 =	simm.s32 $0x1BF5;
	[smem:$0x3FB6] =	sst s0  }
0x18: {  	s0 =	sld [smem:$0x3F99];
	_ =	swait.ge [sflag:s4], $0x0  }
0x19: {  	s7 =	sld [smem:$0x3F9A]  }
0x1a: {  	s8 =	sadd.s32 $0xFFFFE003, lr  }
0x1b: {  	s9 =	sadd.s32 $0xFFFFFEF7, lr;
	s5 =	simm.s32 $0xFFFFFFFF;
	p2 =	slt.u32 s8, $0xFFFFF086  }
0x1c: {  	p1 =	slt.u32 s9, $0xF7A;
	s5 =	simm.s32 @!p2 $0x0  }
0x1d: {  	s5 =	simm.s32 @p1 $0x1;
	p0 =	seq.s32 s7, s2  }
0x1e: {  	s7 =	smul.u32 @!p0 $0xF7A, s2;
	p2 =	seq.s32 @!p0 s5, $0x0  }
0x1f: {  	s9 =	smul.u32 $0xF7A, s1;
	s8 =	simm.s32 @!p0 $0x1BF5;
	p2 =	por !p2, p0  }
0x20: {  	[sflag:s8] =	ssyncset.s32 @!p0 $0xFFFFF086;
	s6 =	sadd.s32 @!p0 s3, s7;
	s7 =	simm.s32 @!p0 $0x108  }
0x21: {  	s3 =	sadd.s32 s3, s9;
	s6 =	sadd.s32 @!p0 $0x88, s6;
	s7 =	simm.s32 @p2 $0x1082  }
0x22: {  	[simem:s7], [sflag:s8] =	dma.local @!p0 [hbm:s6], $0xF7A  }
0x23: {  	s9 =	sor.u32 $0xD0000000, s2;
	s6 =	simm.s32 $0x108;
	_ =	swait.ge @!p0 [sflag:s8], $0x0  }
0x24: {  	s3 =	sadd.s32 $0x88, s3;
	s6 =	simm.s32 @!p1 $0x1082;
	[sflag:s4] =	ssyncset.s32 $0xFFFFF086  }
0x25: {  	[simem:s6], [sflag:s4] =	dma.local [hbm:s3], $0xF7A  }
0x26: {  	[smem:$0x3F9A] =	sst s1;
	(tag) =	ssettag s2;
	_ =	strace s9  }
0x27: {  	s1 =	sld [smem:$0x3FAA]  }
0x28: {  	s2 =	sld [smem:$0x3FAB]  }
0x29: {  	s4 =	sld [smem:$0x3FAD]  }
0x2a: {  	p0 =	seq.s32 s5, $0x0;
	s5 =	sld [smem:$0x3FAE]  }
0x2b: {  	s6 =	sld [smem:$0x3FAF]  }
0x2c: {  	s7 =	sld [smem:$0x3FB0]  }
0x2d: {  	s3 =	simm.s32 $0x108;
	s8 =	sld [smem:$0x3FB1]  }
0x2e: {  	s3 =	simm.s32 @!p0 $0x1082;
	s9 =	sld [smem:$0x3FB2]  }
0x2f: {  	lr =	sadd.s32 s0, s3;
	s0 =	sld [smem:$0x3FA9]  }
0x30: {  	s3 =	sld [smem:$0x3FAC]  }
0x31: {  	[smem:$0x3FB5] =	sst s10  }
0x32: {  	s10 =	sld [smem:$0x3FB3];
	_ =	sdelay $0x3  }
0x33: {  	p0 =	seq.s32 s10, $0x1;
	s10 =	sld [smem:$0x3FB5];
	_ =	sdelay $0x3  }
0x34: {  	[smem:$0x3FB5] =	sst s10  }
0x35: {  	s10 =	sld [smem:$0x3FB4];
	_ =	sdelay $0x3  }
0x36: {  	p1 =	seq.s32 s10, $0x1;
	s10 =	sld [smem:$0x3FB5];
	_ =	sdelay $0x3  }
0x37: {  	[smem:$0x3FB5] =	sst s10  }
0x38: {  	s10 =	sld [smem:$0x3FB6]  }
0x39: {  	_ = 	snop;
	(pc) =	sbr.ind lr, $3  }
0x3a: {  	_ = 	snop  }
0x3b: {  	_ = 	snop  }
0x3c: {  	p2 =	seq.s32 s10, $0x1;
	s10 =	sld [smem:$0x3FB5]  }
0x3d: {  	_ =	shalt  }
0x3e: {  	_ =	shalt  }
0x3f: {  	_ =	shalt  }
0x40: {  	_ =	shalt  }
0x41: {  	_ =	shalt  }
0x42: {  	_ =	shalt  }
0x43: {  	_ =	shalt  }
0x44: {  	_ =	shalt  }
0x45: {  	_ =	shalt  }
0x46: {  	_ =	shalt  }
0x47: {  	_ =	shalt  }
0x48: {  	_ =	shalt  }
0x49: {  	_ =	shalt  }
0x4a: {  	_ =	shalt  }
0x4b: {  	_ =	shalt  }
0x4c: {  	_ =	shalt  }
0x4d: {  	_ =	shalt  }
0x4e: {  	_ =	shalt  }
0x4f: {  	_ =	shalt  }
0x50: {  	_ =	shalt  }
0x51: {  	_ =	shalt  }
0x52: {  	_ =	shalt  }
0x53: {  	_ =	shalt  }
0x54: {  	_ =	shalt  }
0x55: {  	_ =	shalt  }
0x56: {  	_ =	shalt  }
0x57: {  	_ =	shalt  }
0x58: {  	_ =	shalt  }
0x59: {  	_ =	shalt  }
0x5a: {  	_ =	shalt  }
0x5b: {  	_ =	shalt  }
0x5c: {  	_ =	shalt  }
0x5d: {  	_ =	shalt  }
0x5e: {  	_ =	shalt  }
0x5f: {  	_ =	shalt  }
0x60: {  	_ =	shalt  }
0x61: {  	_ =	shalt  }
0x62: {  	_ =	shalt  }
0x63: {  	_ =	shalt  }
0x64: {  	_ =	shalt  }
0x65: {  	_ =	shalt  }
0x66: {  	_ =	shalt  }
0x67: {  	_ =	shalt  }
0x68: {  	_ =	shalt  }
0x69: {  	_ =	shalt  }
0x6a: {  	_ =	shalt  }
0x6b: {  	_ =	shalt  }
0x6c: {  	_ =	shalt  }
0x6d: {  	_ =	shalt  }
0x6e: {  	_ =	shalt  }
0x6f: {  	_ =	shalt  }
0x70: {  	_ =	shalt  }
0x71: {  	_ =	shalt  }
0x72: {  	_ =	shalt  }
0x73: {  	_ =	shalt  }
0x74: {  	_ =	shalt  }
0x75: {  	_ =	shalt  }
0x76: {  	_ =	shalt  }
0x77: {  	_ =	shalt  }
0x78: {  	_ =	shalt  }
0x79: {  	_ =	shalt  }
0x7a: {  	_ =	shalt  }
0x7b: {  	_ =	shalt  }
0x7c: {  	_ =	shalt  }
0x7d: {  	_ =	shalt  }
0x7e: {  	_ =	shalt  }
0x7f: {  	_ =	shalt  }
0x80: {  	_ =	shalt  }
0x81: {  	_ =	shalt  }
0x82: {  	_ =	shalt  }
0x83: {  	_ =	shalt  }
0x84: {  	_ =	shalt  }
0x85: {  	_ =	shalt  }
0x86: {  	_ =	shalt  }
0x87: {  	_ =	shalt  }
.Lfunc_end0:
.L_simem_size_0:
called_computation_lowered:
.L_overlay_start_0:
0x88: {  	s2 =	sld [smem:$0x3FD9]  }
0x89: {  	s3 =	sld [smem:$0x3FFE];
	_ =	sdelay $0x1  }
0x8a: {  	s1 =	srdreg.scid  }
0x8b: {  	s0 =	sand.u32 $0x1, s1  }
0x8c: {  	s16 =	sshll.u32 s0, $0xA;
	s2 =	sadd.s32 s3, s2  }
0x8d: {  	s2 =	sadd.s32 s2, s16  }
0x8e: {  	[smem:$0x3FC1] =	sst s2  }
0x8f: {  	_ = 	snop  }
0x90: {  	(tm) =	ssettm $0x1  }
0x91: {  	s17 =	sld [smem:$0x3FFB];
	_ =	sdelay $0x3  }
0x92: {  	_ =	strace s17  }
0x93: {  	s2 =	sld [smem:$0x3FFC];
	_ =	sdelay $0x3  }
0x94: {  	_ =	strace s2  }
0x95: {  	s2 =	sld [smem:$0x3FFD];
	_ =	sdelay $0x3  }
0x96: {  	_ =	strace s2  }
0x97: {  	_ =	strace $0x8FFFFFFF  }
0x98: {  	s18 =	sld [smem:$0x3FDB];
	_ =	sdelay $0x1  }
0x99: {  	s19 =	simm.s32 $_scs_section_size  }
0x9a: {  	s4 =	simm.s32 $_size__tile_overlayer_lowered;
	s5 =	simm.s32 $_tile_overlayer_lowered  }
0x9b: {  	s22 =	simm.s32 $0x1BFF;
	s21 =	sshll.u32 s5, $0x1;
	s2 =	sadd.s32 s19, s18  }
0x9c: {  	s6 =	simm.s32 $0x0;
	s20 =	sshll.u32 s4, $0x1;
	s4 =	sadd.s32 s21, s2  }
0x9d: {  	[timem:s6], [sflag:s22] =	dma.local [hbm:s4], s20  }
0x9e: {  	_ =	swait.ge [sflag:s22], s20  }
0x9f: {  	s3 =	ssub.s32 $0x0, s20;
	[sflag:s22] =	ssyncset.done $0x0  }
0xa0: {  	[sflag:s22] =	ssyncadd.s32 s3;
	_ =	sdelay $0x1  }
0xa1: {  	s23 =	simm.s32 $0x1B8B  }
0xa2: {  	_ =	swait.ge [sflag:s23], $0x1  }
0xa3: {  	[sflag:s23] =	ssyncset.done $0x0  }
0xa4: {  	s25 =	simm.s32 $0x1B8E;
	s24 =	sld [smem:$0x3FFE];
	[sflag:s23] =	ssyncadd.s32 $0xFFFFFFFF  }
0xa5: {  	s26 =	simm.s32 $execute0_lowered;
	[smem:$0x3FD2] =	sst s25  }
0xa6: {  	s4 =	sshll.u32 s26, $0x1;
	_ =	strace $0x80000046;
	[dreg:$0x1] =	wrdreg $0xFFFFFFFF  }
0xa7: {  	s28 =	simm.s32 $_size_execute0_lowered;
	s2 =	sadd.s32 s2, s4;
	[dreg:$0x0] =	wrdreg $0x0  }
0xa8: {  	s4 =	sshll.u32 s28, $0x1;
	[dreg:$0x2] =	wrdreg s2  }
0xa9: {  	[dreg:$0x3] =	wrdreg s4  }
0xaa: {  	[dreg:$0x4] =	wrdreg $0xC0  }
0xab: {  	_ =	task [dreg:s6], $0x5FFFF  }
0xac: {  	[dreg:$0x1] =	wrdreg $0xFFFFFFFF  }
0xad: {  	[dreg:$0x0] =	wrdreg $0x60  }
0xae: {  	[dreg:$0x2] =	wrdreg s24  }
0xaf: {  	[dreg:$0x3] =	wrdreg $0x9  }
0xb0: {  	_ =	task.clear_ibuf [dreg:s6], $0x4FFFF;
	_ =	strace $0x90000046  }
0xb1: {  	s29 =	simm.s32 $0x9;
	_ =	strace $0x80000048  }
0xb2: {  	_ =	swait.ge [sflag:s29], $0x1  }
0xb3: {  	[sflag:s29] =	ssyncadd.s32 $0xFFFFFFFF  }
0xb4: {  	_ =	strace $0x90000048  }
0xb5: {  	_ =	sfence  }
0xb6: {  	s30 =	sld [smem:$0x0];
	_ =	sdelay $0x2  }
0xb7: {  	s31 =	sshll.u32 s1, $0xD;
	s1 =	sshrl.u32 s1, $0x2  }
0xb8: {  	s3 =	sand.u32 $0x4000, s31;
	s1 =	sadd.s32 s1, s30  }
0xb9: {  	s0 =	sor.u32 s3, s0;
	s1 =	sshll.u32 s1, $0x11  }
0xba: {  	s0 =	sor.u32 s1, s0  }
0xbb: {  	s0 =	sadd.s32 $0x8F2B, s0  }
0xbc: {  	[sflag:s0] =	ssyncadd.remote.s32 $0x1  }
0xbd: {  	_ =	sfence.sel $0xFFFF  }
0xbe: {  	[dreg:$0x0] =	wrdreg $0xFFFFFFFF;
	(pc) =	sbr.abs _section_cstart, $3  }
0xbf: {  	[dreg:$0x1] =	wrdreg $0xFFFFFFFF  }
0xc0: {  	_ =	task.clear_ibuf [dreg:s6], $0x2FFFF;
	_ =	strace $0x9FFFFFFF  }
0xc1: {  	(tm) =	ssettm $0x7FFFFFFF  }
tec
execute0_lowered:
.L_overlay_start_1:
0x0: {  	(tag) =	ssettag $0x1  }
0x1: {  	s0 =	srdreg.scid  }
0x2: {  	s0 =	sand.u32 $0x1, s0  }
0x3: {  	s2 =	ssub.s32 $0x2, s0  }
0x4: {  	s3 =	sshrl.u32 s2, $0x1  }
0x5: {  	s2 =	ssub.s32 s2, s3  }
0x6: {  	s1 =	rddreg [dreg:$0x0];
	s5 =	smax.u32 s2, $0x1  }
0x7: {  	s4 =	simm.s32 $0x0;
	s1 =	sadd.s32 $0x18600, s1;
	p0 =	sne.s32 s5, $0x1  }
.Ltmp0:
0x8: {  	s0 =	rddreg [dreg:$0x1];
	_ =	strace $0x80000047;
	(pc) =	sbr.rel @!p0 .LBB2_2-.Ltmp0, $4  }
0x9: {  	[tilespmem:s4], [sflag:$0x1] =	stream.linear.gather [hbm4b:s1+s4], $0x4000, $0x38;
	[tilespmem:$0x4000] =	vst v63  }
0xa: {  	s3 =	simm.s32 $0x1  }
0xb: {  	_ =	swait.ge [sflag:s3], $0x4000  }
0xc: {  	s2 =	stileid.u32;
	s5 =	sadd.s32 $0xFFFFFFFF, s5;
	[sflag:s3] =	ssyncset.done $0x0  }
.LBB2_1:
0xd: {  	p0 =	sne.s32 s5, $0x1;
	s5 =	sadd.s32 $0xFFFFFFFF, s5;
	[sflag:s3] =	ssyncadd.s32 $0xFFFFC000  }
.Ltmp1:
0xe: {  	(pc) =	sbr.rel @p0 .LBB2_1-.Ltmp1, $4  }
0xf: {  	_ = 	snop  }
0x10: {  	[tilespmem:s4], [sflag:$0x1] =	stream.linear.gather [hbm4b:s1+s4], $0x4000, $0x38;
	[tilespmem:$0x4000] =	vst v63  }
0x11: {  	_ =	swait.ge [sflag:s3], $0x4000  }
0x12: {  	[sflag:s3] =	ssyncset.done $0x0  }
.LBB2_2:
0x13: {  	[sflag:s3] =	ssyncadd.s32 $0xFFFFC000  }
0x14: {  	_ =	sfence.sel $0x180000  }
0x15: {  	[bflag:$0x0] =	sbarrier.arrive $0xFFFF  }
0x16: {  	p0 =	sne.s32 s2, $0x0;
	_ =	strace $0x90000047  }
0x17: {  	s0 =	sadd.s32 @!p0 $0x100000, s0;
	[bflag:$0x2] =	sbarrier.arrive $0xFFFF  }
0x18: {  	[sflag:s0] =	ssyncadd.tile.s32 @!p0 $0x1;
	_ =	shalt  }
.Lfunc_end2:
_tile_overlayer_lowered:
.L_overlay_start_2:
0x19: {  	(tag) =	ssettag $0x2  }
0x1a: {  	s0 =	rddreg [dreg:$0x0];
	s2 =	stileid.u32  }
0x1b: {  	s1 =	rddreg [dreg:$0x1];
	p0 =	sne.s32 s2, $0x0  }
0x1c: {  	s3 =	rddreg [dreg:$0x2];
	[bflag:$0x3] =	sbarrier.arrive $0xFFFF;
	s2 =	simm.s32 @!p0 $0x1C01  }
0x1d: {  	[timem:s3], [sflag:s2] =	dma.local @!p0 [hbm:s0], s1  }
0x1e: {  	s0 =	simm.s32 @!p0 $0x1  }
0x1f: {  	_ =	swait.ge @!p0 [sflag:s0], s1  }
0x20: {  	s1 =	ssub.s32 @!p0 $0x0, s1;
	[sflag:s0] =	ssyncset.done @!p0 $0x0  }
0x21: {  	[sflag:s0] =	ssyncadd.s32 @!p0 s1  }
0x22: {  	[bflag:$0x3] =	sbarrier.arrive $0xFFFF  }
0x23: {  	_ =	shalt  }

// kernel: _run.13.cloned.1.call-start
scs
__scs_entry_jumppad:
0x0: {  	(pc) =	sbr.rel $0x88, $3  }
0x1: {  	(tag) =	ssettag $0x0;
	lr =	simm.s32 $0x1  }
0x2: {  	[smem:$0x3F9A] =	sst lr;
	_ =	strace $0xD0000000  }
0x3: {  	_ = 	snop  }
0x4: {  	_ = 	snop  }
0x5: {  	_ = 	snop  }
0x6: {  	_ = 	snop  }
0x7: {  	_ = 	snop  }
__scs_overlays_trampoline_lowered:
0x8: {  	[smem:$0x3FA9] =	sst s0  }
0x9: {  	[smem:$0x3FAA] =	sst s1  }
0xa: {  	[smem:$0x3FAB] =	sst s2  }
0xb: {  	[smem:$0x3FAC] =	sst s3  }
0xc: {  	[smem:$0x3FAD] =	sst s4  }
0xd: {  	[smem:$0x3FAE] =	sst s5  }
0xe: {  	[smem:$0x3FAF] =	sst s6  }
0xf: {  	[smem:$0x3FB0] =	sst s7  }
0x10: {  	[smem:$0x3FB1] =	sst s8  }
0x11: {  	[smem:$0x3FB2] =	sst s9;
	s0 =	simm.s32 @!p0 $0x0  }
0x12: {  	s1 =	sld [smem:$0x3F98];
	s0 =	simm.s32 @p0 $0x1  }
0x13: {  	[smem:$0x3FB3] =	sst s0;
	s0 =	simm.s32 @!p1 $0x0  }
0x14: {  	s2 =	sld [smem:$0x3F97];
	s0 =	simm.s32 @p1 $0x1  }
0x15: {  	[smem:$0x3FB4] =	sst s0;
	s0 =	simm.s32 @!p2 $0x0  }
0x16: {  	s3 =	sld [smem:$0x3FDB];
	s0 =	simm.s32 @p2 $0x1  }
0x17: {  	s4 =	simm.s32 $0x1BF5;
	[smem:$0x3FB6] =	sst s0  }
0x18: {  	s0 =	sld [smem:$0x3F99];
	_ =	swait.ge [sflag:s4], $0x0  }
0x19: {  	s7 =	sld [smem:$0x3F9A]  }
0x1a: {  	s8 =	sadd.s32 $0xFFFFE003, lr  }
0x1b: {  	s9 =	sadd.s32 $0xFFFFFEF7, lr;
	s5 =	simm.s32 $0xFFFFFFFF;
	p2 =	slt.u32 s8, $0xFFFFF086  }
0x1c: {  	p1 =	slt.u32 s9, $0xF7A;
	s5 =	simm.s32 @!p2 $0x0  }
0x1d: {  	s5 =	simm.s32 @p1 $0x1;
	p0 =	seq.s32 s7, s2  }
0x1e: {  	s7 =	smul.u32 @!p0 $0xF7A, s2;
	p2 =	seq.s32 @!p0 s5, $0x0  }
0x1f: {  	s9 =	smul.u32 $0xF7A, s1;
	s8 =	simm.s32 @!p0 $0x1BF5;
	p2 =	por !p2, p0  }
0x20: {  	[sflag:s8] =	ssyncset.s32 @!p0 $0xFFFFF086;
	s6 =	sadd.s32 @!p0 s3, s7;
	s7 =	simm.s32 @!p0 $0x108  }
0x21: {  	s3 =	sadd.s32 s3, s9;
	s6 =	sadd.s32 @!p0 $0x88, s6;
	s7 =	simm.s32 @p2 $0x1082  }
0x22: {  	[simem:s7], [sflag:s8] =	dma.local @!p0 [hbm:s6], $0xF7A  }
0x23: {  	s9 =	sor.u32 $0xD0000000, s2;
	s6 =	simm.s32 $0x108;
	_ =	swait.ge @!p0 [sflag:s8], $0x0  }
0x24: {  	s3 =	sadd.s32 $0x88, s3;
	s6 =	simm.s32 @!p1 $0x1082;
	[sflag:s4] =	ssyncset.s32 $0xFFFFF086  }
0x25: {  	[simem:s6], [sflag:s4] =	dma.local [hbm:s3], $0xF7A  }
0x26: {  	[smem:$0x3F9A] =	sst s1;
	(tag) =	ssettag s2;
	_ =	strace s9  }
0x27: {  	s1 =	sld [smem:$0x3FAA]  }
0x28: {  	s2 =	sld [smem:$0x3FAB]  }
0x29: {  	s4 =	sld [smem:$0x3FAD]  }
0x2a: {  	p0 =	seq.s32 s5, $0x0;
	s5 =	sld [smem:$0x3FAE]  }
0x2b: {  	s6 =	sld [smem:$0x3FAF]  }
0x2c: {  	s7 =	sld [smem:$0x3FB0]  }
0x2d: {  	s3 =	simm.s32 $0x108;
	s8 =	sld [smem:$0x3FB1]  }
0x2e: {  	s3 =	simm.s32 @!p0 $0x1082;
	s9 =	sld [smem:$0x3FB2]  }
0x2f: {  	lr =	sadd.s32 s0, s3;
	s0 =	sld [smem:$0x3FA9]  }
0x30: {  	s3 =	sld [smem:$0x3FAC]  }
0x31: {  	[smem:$0x3FB5] =	sst s10  }
0x32: {  	s10 =	sld [smem:$0x3FB3];
	_ =	sdelay $0x3  }
0x33: {  	p0 =	seq.s32 s10, $0x1;
	s10 =	sld [smem:$0x3FB5];
	_ =	sdelay $0x3  }
0x34: {  	[smem:$0x3FB5] =	sst s10  }
0x35: {  	s10 =	sld [smem:$0x3FB4];
	_ =	sdelay $0x3  }
0x36: {  	p1 =	seq.s32 s10, $0x1;
	s10 =	sld [smem:$0x3FB5];
	_ =	sdelay $0x3  }
0x37: {  	[smem:$0x3FB5] =	sst s10  }
0x38: {  	s10 =	sld [smem:$0x3FB6]  }
0x39: {  	_ = 	snop;
	(pc) =	sbr.ind lr, $3  }
0x3a: {  	_ = 	snop  }
0x3b: {  	_ = 	snop  }
0x3c: {  	p2 =	seq.s32 s10, $0x1;
	s10 =	sld [smem:$0x3FB5]  }
0x3d: {  	_ =	shalt  }
0x3e: {  	_ =	shalt  }
0x3f: {  	_ =	shalt  }
0x40: {  	_ =	shalt  }
0x41: {  	_ =	shalt  }
0x42: {  	_ =	shalt  }
0x43: {  	_ =	shalt  }
0x44: {  	_ =	shalt  }
0x45: {  	_ =	shalt  }
0x46: {  	_ =	shalt  }
0x47: {  	_ =	shalt  }
0x48: {  	_ =	shalt  }
0x49: {  	_ =	shalt  }
0x4a: {  	_ =	shalt  }
0x4b: {  	_ =	shalt  }
0x4c: {  	_ =	shalt  }
0x4d: {  	_ =	shalt  }
0x4e: {  	_ =	shalt  }
0x4f: {  	_ =	shalt  }
0x50: {  	_ =	shalt  }
0x51: {  	_ =	shalt  }
0x52: {  	_ =	shalt  }
0x53: {  	_ =	shalt  }
0x54: {  	_ =	shalt  }
0x55: {  	_ =	shalt  }
0x56: {  	_ =	shalt  }
0x57: {  	_ =	shalt  }
0x58: {  	_ =	shalt  }
0x59: {  	_ =	shalt  }
0x5a: {  	_ =	shalt  }
0x5b: {  	_ =	shalt  }
0x5c: {  	_ =	shalt  }
0x5d: {  	_ =	shalt  }
0x5e: {  	_ =	shalt  }
0x5f: {  	_ =	shalt  }
0x60: {  	_ =	shalt  }
0x61: {  	_ =	shalt  }
0x62: {  	_ =	shalt  }
0x63: {  	_ =	shalt  }
0x64: {  	_ =	shalt  }
0x65: {  	_ =	shalt  }
0x66: {  	_ =	shalt  }
0x67: {  	_ =	shalt  }
0x68: {  	_ =	shalt  }
0x69: {  	_ =	shalt  }
0x6a: {  	_ =	shalt  }
0x6b: {  	_ =	shalt  }
0x6c: {  	_ =	shalt  }
0x6d: {  	_ =	shalt  }
0x6e: {  	_ =	shalt  }
0x6f: {  	_ =	shalt  }
0x70: {  	_ =	shalt  }
0x71: {  	_ =	shalt  }
0x72: {  	_ =	shalt  }
0x73: {  	_ =	shalt  }
0x74: {  	_ =	shalt  }
0x75: {  	_ =	shalt  }
0x76: {  	_ =	shalt  }
0x77: {  	_ =	shalt  }
0x78: {  	_ =	shalt  }
0x79: {  	_ =	shalt  }
0x7a: {  	_ =	shalt  }
0x7b: {  	_ =	shalt  }
0x7c: {  	_ =	shalt  }
0x7d: {  	_ =	shalt  }
0x7e: {  	_ =	shalt  }
0x7f: {  	_ =	shalt  }
0x80: {  	_ =	shalt  }
0x81: {  	_ =	shalt  }
0x82: {  	_ =	shalt  }
0x83: {  	_ =	shalt  }
0x84: {  	_ =	shalt  }
0x85: {  	_ =	shalt  }
0x86: {  	_ =	shalt  }
0x87: {  	_ =	shalt  }
.Lfunc_end0:
.L_simem_size_0:
called_computation.1_lowered:
.L_overlay_start_0:
0x88: {  	s2 =	sld [smem:$0x3FD9]  }
0x89: {  	s3 =	sld [smem:$0x3FFE];
	_ =	sdelay $0x1  }
0x8a: {  	s1 =	srdreg.scid  }
0x8b: {  	s0 =	sand.u32 $0x1, s1  }
0x8c: {  	s17 =	sshll.u32 s0, $0xA;
	s2 =	sadd.s32 s3, s2  }
0x8d: {  	s2 =	sadd.s32 s2, s17  }
0x8e: {  	[smem:$0x3FC1] =	sst s2  }
0x8f: {  	_ = 	snop  }
0x90: {  	(tm) =	ssettm $0x1  }
0x91: {  	s18 =	sld [smem:$0x3FFB];
	_ =	sdelay $0x3  }
0x92: {  	_ =	strace s18  }
0x93: {  	s2 =	sld [smem:$0x3FFC];
	_ =	sdelay $0x3  }
0x94: {  	_ =	strace s2  }
0x95: {  	s2 =	sld [smem:$0x3FFD];
	_ =	sdelay $0x3  }
0x96: {  	_ =	strace s2  }
0x97: {  	_ =	strace $0x8FFFFFFF  }
0x98: {  	s19 =	sld [smem:$0x3FDB];
	_ =	sdelay $0x1  }
0x99: {  	s20 =	simm.s32 $_scs_section_size  }
0x9a: {  	s4 =	simm.s32 $_size__tile_overlayer_lowered;
	s5 =	simm.s32 $_tile_overlayer_lowered  }
0x9b: {  	s6 =	simm.s32 $0x1BFF;
	s21 =	sshll.u32 s5, $0x1;
	s3 =	sadd.s32 s20, s19  }
0x9c: {  	s22 =	simm.s32 $0x0;
	s4 =	sshll.u32 s4, $0x1;
	s5 =	sadd.s32 s21, s3  }
0x9d: {  	[timem:s22], [sflag:s6] =	dma.local [hbm:s5], s4  }
0x9e: {  	_ =	swait.ge [sflag:s6], s4  }
0x9f: {  	s4 =	ssub.s32 $0x0, s4;
	[sflag:s6] =	ssyncset.done $0x0  }
0xa0: {  	[sflag:s6] =	ssyncadd.s32 s4;
	_ =	sdelay $0x1  }
0xa1: {  	s23 =	simm.s32 $0x1B8B  }
0xa2: {  	_ =	swait.ge [sflag:s23], $0x1  }
0xa3: {  	[sflag:s23] =	ssyncset.done $0x0  }
0xa4: {  	[sflag:s23] =	ssyncadd.s32 $0xFFFFFFFF  }
0xa5: {  	s4 =	sld [smem:$0x0]  }
0xa6: {  	s5 =	sand.u32 $0xFFFFFFFE, s1  }
0xa7: {  	p0 =	sne.s32 s1, s5  }
0xa8: {  	s5 =	sshll.u32 @p0 s5, $0xE  }
0xa9: {  	s5 =	sadd.s32 @p0 $0x11B8D, s5;
	s6 =	sshll.u32 @p0 s4, $0x11  }
0xaa: {  	s5 =	sor.u32 @p0 s6, s5  }
0xab: {  	[sflag:s5] =	ssyncadd.remote.s32 @p0 $0x1;
	_ =	sdelay $0x1  }
0xac: {  	s5 =	simm.s32 @p0 $0x1B8D  }
0xad: {  	_ =	swait.eq @p0 [sflag:s5], $0x1  }
0xae: {  	[sflag:s5] =	ssyncadd.s32 @p0 $0xFFFFFFFF  }
0xaf: {  	s6 =	sshll.u32 @!p0 s1, $0xE  }
0xb0: {  	s6 =	sor.u32 @!p0 $0x4000, s6;
	s5 =	simm.s32 @!p0 $0x1B8D  }
0xb1: {  	s4 =	sshll.u32 @!p0 s4, $0x11;
	s6 =	sadd.s32 @!p0 $0x11B8D, s6;
	_ =	swait.eq @!p0 [sflag:s5], $0x1  }
0xb2: {  	s4 =	sor.u32 @!p0 s4, s6;
	[sflag:s5] =	ssyncadd.s32 @!p0 $0xFFFFFFFF  }
0xb3: {  	s25 =	simm.s32 $0x1B8E;
	s24 =	sld [smem:$0x3FFE];
	[sflag:s4] =	ssyncadd.remote.s32 @!p0 $0x1  }
0xb4: {  	s26 =	simm.s32 $execute0_lowered;
	[smem:$0x3FD2] =	sst s25  }
0xb5: {  	s5 =	sshll.u32 s26, $0x1;
	_ =	strace $0x80000049;
	[dreg:$0x1] =	wrdreg $0xFFFFFFFF  }
0xb6: {  	s28 =	simm.s32 $_size_execute0_lowered;
	s3 =	sadd.s32 s3, s5;
	[dreg:$0x0] =	wrdreg $0x0  }
0xb7: {  	s5 =	sshll.u32 s28, $0x1;
	[dreg:$0x2] =	wrdreg s3  }
0xb8: {  	[dreg:$0x3] =	wrdreg s5  }
0xb9: {  	[dreg:$0x4] =	wrdreg $0xC0  }
0xba: {  	_ =	task [dreg:s22], $0x5FFFF  }
0xbb: {  	[dreg:$0x1] =	wrdreg $0xFFFFFFFF  }
0xbc: {  	[dreg:$0x0] =	wrdreg $0x60  }
0xbd: {  	[dreg:$0x2] =	wrdreg s24  }
0xbe: {  	[dreg:$0x3] =	wrdreg $0xA  }
0xbf: {  	_ =	task.clear_ibuf [dreg:s22], $0x4FFFF;
	_ =	strace $0x90000049  }
0xc0: {  	s29 =	simm.s32 $0xA;
	_ =	strace $0x8000004B  }
0xc1: {  	_ =	swait.ge [sflag:s29], $0x1  }
0xc2: {  	[sflag:s29] =	ssyncadd.s32 $0xFFFFFFFF  }
0xc3: {  	_ =	strace $0x9000004B  }
0xc4: {  	_ =	sfence  }
0xc5: {  	s30 =	sld [smem:$0x0];
	_ =	sdelay $0x2  }
0xc6: {  	s31 =	sshll.u32 s1, $0xD;
	s1 =	sshrl.u32 s1, $0x2  }
0xc7: {  	s4 =	sand.u32 $0x4000, s31;
	s1 =	sadd.s32 s1, s30  }
0xc8: {  	s0 =	sor.u32 s4, s0;
	s1 =	sshll.u32 s1, $0x11  }
0xc9: {  	s0 =	sor.u32 s1, s0  }
0xca: {  	s0 =	sadd.s32 $0x8F2B, s0  }
0xcb: {  	[sflag:s0] =	ssyncadd.remote.s32 $0x1  }
0xcc: {  	_ =	sfence.sel $0xFFFF  }
0xcd: {  	[dreg:$0x0] =	wrdreg $0xFFFFFFFF;
	(pc) =	sbr.abs _section_cstart, $3  }
0xce: {  	[dreg:$0x1] =	wrdreg $0xFFFFFFFF  }
0xcf: {  	_ =	task.clear_ibuf [dreg:s22], $0x2FFFF;
	_ =	strace $0x9FFFFFFF  }
0xd0: {  	(tm) =	ssettm $0x7FFFFFFF  }
0xd1: {  	_ =	shalt  }
tec
execute0_lowered:
.L_overlay_start_1:
0x0: {  	(tag) =	ssettag $0x1  }
0x1: {  	s0 =	srdreg.scid  }
0x2: {  	s0 =	sand.u32 $0x1, s0  }
0x3: {  	s2 =	ssub.s32 $0x2, s0  }
0x4: {  	s3 =	sshrl.u32 s2, $0x1  }
0x5: {  	s2 =	ssub.s32 s2, s3  }
0x6: {  	s1 =	rddreg [dreg:$0x0];
	s5 =	smax.u32 s2, $0x1  }
0x7: {  	s4 =	simm.s32 $0x0;
	s1 =	sadd.s32 $0x18600, s1;
	p0 =	sne.s32 s5, $0x1  }
.Ltmp0:
0x8: {  	s0 =	rddreg [dreg:$0x1];
	_ =	strace $0x8000004A;
	(pc) =	sbr.rel @!p0 .LBB2_2-.Ltmp0, $4  }
0x9: {  	[tilespmem:s4], [sflag:$0x1] =	stream.linear.gather [hbm4b:s1+s4], $0x4000, $0x38;
	[tilespmem:$0x4000] =	vst v63  }
0xa: {  	s3 =	simm.s32 $0x1  }
0xb: {  	_ =	swait.ge [sflag:s3], $0x4000  }
0xc: {  	s2 =	stileid.u32;
	s5 =	sadd.s32 $0xFFFFFFFF, s5;
	[sflag:s3] =	ssyncset.done $0x0  }
.LBB2_1:
0xd: {  	p0 =	sne.s32 s5, $0x1;
	s5 =	sadd.s32 $0xFFFFFFFF, s5;
	[sflag:s3] =	ssyncadd.s32 $0xFFFFC000  }
.Ltmp1:
0xe: {  	(pc) =	sbr.rel @p0 .LBB2_1-.Ltmp1, $4  }
0xf: {  	_ = 	snop  }
0x10: {  	[tilespmem:s4], [sflag:$0x1] =	stream.linear.gather [hbm4b:s1+s4], $0x4000, $0x38;
	[tilespmem:$0x4000] =	vst v63  }
0x11: {  	_ =	swait.ge [sflag:s3], $0x4000  }
0x12: {  	[sflag:s3] =	ssyncset.done $0x0  }
.LBB2_2:
0x13: {  	[sflag:s3] =	ssyncadd.s32 $0xFFFFC000  }
0x14: {  	_ =	sfence.sel $0x180000  }
0x15: {  	[bflag:$0x0] =	sbarrier.arrive $0xFFFF  }
0x16: {  	p0 =	sne.s32 s2, $0x0;
	_ =	strace $0x9000004A  }
0x17: {  	s0 =	sadd.s32 @!p0 $0x100000, s0;
	[bflag:$0x2] =	sbarrier.arrive $0xFFFF  }
0x18: {  	[sflag:s0] =	ssyncadd.tile.s32 @!p0 $0x1;
	_ =	shalt  }
.Lfunc_end2:
_tile_overlayer_lowered:
.L_overlay_start_2:
0x19: {  	(tag) =	ssettag $0x2  }
0x1a: {  	s0 =	rddreg [dreg:$0x0];
	s2 =	stileid.u32  }
0x1b: {  	s1 =	rddreg [dreg:$0x1];
	p0 =	sne.s32 s2, $0x0  }
0x1c: {  	s3 =	rddreg [dreg:$0x2];
	[bflag:$0x3] =	sbarrier.arrive $0xFFFF;
	s2 =	simm.s32 @!p0 $0x1C01  }
0x1d: {  	[timem:s3], [sflag:s2] =	dma.local @!p0 [hbm:s0], s1  }
0x1e: {  	s0 =	simm.s32 @!p0 $0x1  }
0x1f: {  	_ =	swait.ge @!p0 [sflag:s0], s1  }
0x20: {  	s1 =	ssub.s32 @!p0 $0x0, s1;
	[sflag:s0] =	ssyncset.done @!p0 $0x0  }
0x21: {  	[sflag:s0] =	ssyncadd.s32 @!p0 s1  }
0x22: {  	[bflag:$0x3] =	sbarrier.arrive $0xFFFF  }
0x23: {  	_ =	shalt  }

// kernel: _run.16.cloned.1.call-start
scs
__scs_entry_jumppad:
0x0: {  	(pc) =	sbr.rel $0x88, $3  }
0x1: {  	(tag) =	ssettag $0x0;
	lr =	simm.s32 $0x1  }
0x2: {  	[smem:$0x3F9A] =	sst lr;
	_ =	strace $0xD0000000  }
0x3: {  	_ = 	snop  }
0x4: {  	_ = 	snop  }
0x5: {  	_ = 	snop  }
0x6: {  	_ = 	snop  }
0x7: {  	_ = 	snop  }
__scs_overlays_trampoline_lowered:
0x8: {  	[smem:$0x3FA9] =	sst s0  }
0x9: {  	[smem:$0x3FAA] =	sst s1  }
0xa: {  	[smem:$0x3FAB] =	sst s2  }
0xb: {  	[smem:$0x3FAC] =	sst s3  }
0xc: {  	[smem:$0x3FAD] =	sst s4  }
0xd: {  	[smem:$0x3FAE] =	sst s5  }
0xe: {  	[smem:$0x3FAF] =	sst s6  }
0xf: {  	[smem:$0x3FB0] =	sst s7  }
0x10: {  	[smem:$0x3FB1] =	sst s8  }
0x11: {  	[smem:$0x3FB2] =	sst s9;
	s0 =	simm.s32 @!p0 $0x0  }
0x12: {  	s1 =	sld [smem:$0x3F98];
	s0 =	simm.s32 @p0 $0x1  }
0x13: {  	[smem:$0x3FB3] =	sst s0;
	s0 =	simm.s32 @!p1 $0x0  }
0x14: {  	s2 =	sld [smem:$0x3F97];
	s0 =	simm.s32 @p1 $0x1  }
0x15: {  	[smem:$0x3FB4] =	sst s0;
	s0 =	simm.s32 @!p2 $0x0  }
0x16: {  	s3 =	sld [smem:$0x3FDB];
	s0 =	simm.s32 @p2 $0x1  }
0x17: {  	s4 =	simm.s32 $0x1BF5;
	[smem:$0x3FB6] =	sst s0  }
0x18: {  	s0 =	sld [smem:$0x3F99];
	_ =	swait.ge [sflag:s4], $0x0  }
0x19: {  	s7 =	sld [smem:$0x3F9A]  }
0x1a: {  	s8 =	sadd.s32 $0xFFFFE003, lr  }
0x1b: {  	s9 =	sadd.s32 $0xFFFFFEF7, lr;
	s5 =	simm.s32 $0xFFFFFFFF;
	p2 =	slt.u32 s8, $0xFFFFF086  }
0x1c: {  	p1 =	slt.u32 s9, $0xF7A;
	s5 =	simm.s32 @!p2 $0x0  }
0x1d: {  	s5 =	simm.s32 @p1 $0x1;
	p0 =	seq.s32 s7, s2  }
0x1e: {  	s7 =	smul.u32 @!p0 $0xF7A, s2;
	p2 =	seq.s32 @!p0 s5, $0x0  }
0x1f: {  	s9 =	smul.u32 $0xF7A, s1;
	s8 =	simm.s32 @!p0 $0x1BF5;
	p2 =	por !p2, p0  }
0x20: {  	[sflag:s8] =	ssyncset.s32 @!p0 $0xFFFFF086;
	s6 =	sadd.s32 @!p0 s3, s7;
	s7 =	simm.s32 @!p0 $0x108  }
0x21: {  	s3 =	sadd.s32 s3, s9;
	s6 =	sadd.s32 @!p0 $0x88, s6;
	s7 =	simm.s32 @p2 $0x1082  }
0x22: {  	[simem:s7], [sflag:s8] =	dma.local @!p0 [hbm:s6], $0xF7A  }
0x23: {  	s9 =	sor.u32 $0xD0000000, s2;
	s6 =	simm.s32 $0x108;
	_ =	swait.ge @!p0 [sflag:s8], $0x0  }
0x24: {  	s3 =	sadd.s32 $0x88, s3;
	s6 =	simm.s32 @!p1 $0x1082;
	[sflag:s4] =	ssyncset.s32 $0xFFFFF086  }
0x25: {  	[simem:s6], [sflag:s4] =	dma.local [hbm:s3], $0xF7A  }
0x26: {  	[smem:$0x3F9A] =	sst s1;
	(tag) =	ssettag s2;
	_ =	strace s9  }
0x27: {  	s1 =	sld [smem:$0x3FAA]  }
0x28: {  	s2 =	sld [smem:$0x3FAB]  }
0x29: {  	s4 =	sld [smem:$0x3FAD]  }
0x2a: {  	p0 =	seq.s32 s5, $0x0;
	s5 =	sld [smem:$0x3FAE]  }
0x2b: {  	s6 =	sld [smem:$0x3FAF]  }
0x2c: {  	s7 =	sld [smem:$0x3FB0]  }
0x2d: {  	s3 =	simm.s32 $0x108;
	s8 =	sld [smem:$0x3FB1]  }
0x2e: {  	s3 =	simm.s32 @!p0 $0x1082;
	s9 =	sld [smem:$0x3FB2]  }
0x2f: {  	lr =	sadd.s32 s0, s3;
	s0 =	sld [smem:$0x3FA9]  }
0x30: {  	s3 =	sld [smem:$0x3FAC]  }
0x31: {  	[smem:$0x3FB5] =	sst s10  }
0x32: {  	s10 =	sld [smem:$0x3FB3];
	_ =	sdelay $0x3  }
0x33: {  	p0 =	seq.s32 s10, $0x1;
	s10 =	sld [smem:$0x3FB5];
	_ =	sdelay $0x3  }
0x34: {  	[smem:$0x3FB5] =	sst s10  }
0x35: {  	s10 =	sld [smem:$0x3FB4];
	_ =	sdelay $0x3  }
0x36: {  	p1 =	seq.s32 s10, $0x1;
	s10 =	sld [smem:$0x3FB5];
	_ =	sdelay $0x3  }
0x37: {  	[smem:$0x3FB5] =	sst s10  }
0x38: {  	s10 =	sld [smem:$0x3FB6]  }
0x39: {  	_ = 	snop;
	(pc) =	sbr.ind lr, $3  }
0x3a: {  	_ = 	snop  }
0x3b: {  	_ = 	snop  }
0x3c: {  	p2 =	seq.s32 s10, $0x1;
	s10 =	sld [smem:$0x3FB5]  }
0x3d: {  	_ =	shalt  }
0x3e: {  	_ =	shalt  }
0x3f: {  	_ =	shalt  }
0x40: {  	_ =	shalt  }
0x41: {  	_ =	shalt  }
0x42: {  	_ =	shalt  }
0x43: {  	_ =	shalt  }
0x44: {  	_ =	shalt  }
0x45: {  	_ =	shalt  }
0x46: {  	_ =	shalt  }
0x47: {  	_ =	shalt  }
0x48: {  	_ =	shalt  }
0x49: {  	_ =	shalt  }
0x4a: {  	_ =	shalt  }
0x4b: {  	_ =	shalt  }
0x4c: {  	_ =	shalt  }
0x4d: {  	_ =	shalt  }
0x4e: {  	_ =	shalt  }
0x4f: {  	_ =	shalt  }
0x50: {  	_ =	shalt  }
0x51: {  	_ =	shalt  }
0x52: {  	_ =	shalt  }
0x53: {  	_ =	shalt  }
0x54: {  	_ =	shalt  }
0x55: {  	_ =	shalt  }
0x56: {  	_ =	shalt  }
0x57: {  	_ =	shalt  }
0x58: {  	_ =	shalt  }
0x59: {  	_ =	shalt  }
0x5a: {  	_ =	shalt  }
0x5b: {  	_ =	shalt  }
0x5c: {  	_ =	shalt  }
0x5d: {  	_ =	shalt  }
0x5e: {  	_ =	shalt  }
0x5f: {  	_ =	shalt  }
0x60: {  	_ =	shalt  }
0x61: {  	_ =	shalt  }
0x62: {  	_ =	shalt  }
0x63: {  	_ =	shalt  }
0x64: {  	_ =	shalt  }
0x65: {  	_ =	shalt  }
0x66: {  	_ =	shalt  }
0x67: {  	_ =	shalt  }
0x68: {  	_ =	shalt  }
0x69: {  	_ =	shalt  }
0x6a: {  	_ =	shalt  }
0x6b: {  	_ =	shalt  }
0x6c: {  	_ =	shalt  }
0x6d: {  	_ =	shalt  }
0x6e: {  	_ =	shalt  }
0x6f: {  	_ =	shalt  }
0x70: {  	_ =	shalt  }
0x71: {  	_ =	shalt  }
0x72: {  	_ =	shalt  }
0x73: {  	_ =	shalt  }
0x74: {  	_ =	shalt  }
0x75: {  	_ =	shalt  }
0x76: {  	_ =	shalt  }
0x77: {  	_ =	shalt  }
0x78: {  	_ =	shalt  }
0x79: {  	_ =	shalt  }
0x7a: {  	_ =	shalt  }
0x7b: {  	_ =	shalt  }
0x7c: {  	_ =	shalt  }
0x7d: {  	_ =	shalt  }
0x7e: {  	_ =	shalt  }
0x7f: {  	_ =	shalt  }
0x80: {  	_ =	shalt  }
0x81: {  	_ =	shalt  }
0x82: {  	_ =	shalt  }
0x83: {  	_ =	shalt  }
0x84: {  	_ =	shalt  }
0x85: {  	_ =	shalt  }
0x86: {  	_ =	shalt  }
0x87: {  	_ =	shalt  }
.Lfunc_end0:
.L_simem_size_0:
called_computation.2_lowered:
.L_overlay_start_0:
0x88: {  	s2 =	sld [smem:$0x3FD9]  }
0x89: {  	s3 =	sld [smem:$0x3FFE];
	_ =	sdelay $0x1  }
0x8a: {  	s1 =	srdreg.scid  }
0x8b: {  	s0 =	sand.u32 $0x1, s1  }
0x8c: {  	s17 =	sshll.u32 s0, $0xA;
	s2 =	sadd.s32 s3, s2  }
0x8d: {  	s2 =	sadd.s32 s2, s17  }
0x8e: {  	[smem:$0x3FC1] =	sst s2  }
0x8f: {  	_ = 	snop  }
0x90: {  	(tm) =	ssettm $0x1  }
0x91: {  	s18 =	sld [smem:$0x3FFB];
	_ =	sdelay $0x3  }
0x92: {  	_ =	strace s18  }
0x93: {  	s2 =	sld [smem:$0x3FFC];
	_ =	sdelay $0x3  }
0x94: {  	_ =	strace s2  }
0x95: {  	s2 =	sld [smem:$0x3FFD];
	_ =	sdelay $0x3  }
0x96: {  	_ =	strace s2  }
0x97: {  	_ =	strace $0x8FFFFFFF  }
0x98: {  	s19 =	sld [smem:$0x3FDB];
	_ =	sdelay $0x1  }
0x99: {  	s20 =	simm.s32 $_scs_section_size  }
0x9a: {  	s4 =	simm.s32 $_size__tile_overlayer_lowered;
	s5 =	simm.s32 $_tile_overlayer_lowered  }
0x9b: {  	s6 =	simm.s32 $0x1BFF;
	s21 =	sshll.u32 s5, $0x1;
	s3 =	sadd.s32 s20, s19  }
0x9c: {  	s22 =	simm.s32 $0x0;
	s4 =	sshll.u32 s4, $0x1;
	s5 =	sadd.s32 s21, s3  }
0x9d: {  	[timem:s22], [sflag:s6] =	dma.local [hbm:s5], s4  }
0x9e: {  	_ =	swait.ge [sflag:s6], s4  }
0x9f: {  	s4 =	ssub.s32 $0x0, s4;
	[sflag:s6] =	ssyncset.done $0x0  }
0xa0: {  	[sflag:s6] =	ssyncadd.s32 s4;
	_ =	sdelay $0x1  }
0xa1: {  	s23 =	simm.s32 $0x1B8B  }
0xa2: {  	_ =	swait.ge [sflag:s23], $0x1  }
0xa3: {  	[sflag:s23] =	ssyncset.done $0x0  }
0xa4: {  	[sflag:s23] =	ssyncadd.s32 $0xFFFFFFFF  }
0xa5: {  	s4 =	sld [smem:$0x0]  }
0xa6: {  	s5 =	sand.u32 $0xFFFFFFFE, s1  }
0xa7: {  	p0 =	sne.s32 s1, s5  }
0xa8: {  	s5 =	sshll.u32 @p0 s5, $0xE  }
0xa9: {  	s5 =	sadd.s32 @p0 $0x11B8D, s5;
	s6 =	sshll.u32 @p0 s4, $0x11  }
0xaa: {  	s5 =	sor.u32 @p0 s6, s5  }
0xab: {  	[sflag:s5] =	ssyncadd.remote.s32 @p0 $0x1;
	_ =	sdelay $0x1  }
0xac: {  	s5 =	simm.s32 @p0 $0x1B8D  }
0xad: {  	_ =	swait.eq @p0 [sflag:s5], $0x1  }
0xae: {  	[sflag:s5] =	ssyncadd.s32 @p0 $0xFFFFFFFF  }
0xaf: {  	s6 =	sshll.u32 @!p0 s1, $0xE  }
0xb0: {  	s6 =	sor.u32 @!p0 $0x4000, s6;
	s5 =	simm.s32 @!p0 $0x1B8D  }
0xb1: {  	s4 =	sshll.u32 @!p0 s4, $0x11;
	s6 =	sadd.s32 @!p0 $0x11B8D, s6;
	_ =	swait.eq @!p0 [sflag:s5], $0x1  }
0xb2: {  	s4 =	sor.u32 @!p0 s4, s6;
	[sflag:s5] =	ssyncadd.s32 @!p0 $0xFFFFFFFF  }
0xb3: {  	s25 =	simm.s32 $0x1B8E;
	s24 =	sld [smem:$0x3FFE];
	[sflag:s4] =	ssyncadd.remote.s32 @!p0 $0x1  }
0xb4: {  	s26 =	simm.s32 $execute0_lowered;
	[smem:$0x3FD2] =	sst s25  }
0xb5: {  	s5 =	sshll.u32 s26, $0x1;
	_ =	strace $0x8000004C;
	[dreg:$0x1] =	wrdreg $0xFFFFFFFF  }
0xb6: {  	s28 =	simm.s32 $_size_execute0_lowered;
	s3 =	sadd.s32 s3, s5;
	[dreg:$0x0] =	wrdreg $0x0  }
0xb7: {  	s5 =	sshll.u32 s28, $0x1;
	[dreg:$0x2] =	wrdreg s3  }
0xb8: {  	[dreg:$0x3] =	wrdreg s5  }
0xb9: {  	[dreg:$0x4] =	wrdreg $0xC0  }
0xba: {  	_ =	task [dreg:s22], $0x5FFFF  }
0xbb: {  	[dreg:$0x1] =	wrdreg $0xFFFFFFFF  }
0xbc: {  	[dreg:$0x0] =	wrdreg $0x60  }
0xbd: {  	[dreg:$0x2] =	wrdreg s24  }
0xbe: {  	[dreg:$0x3] =	wrdreg $0xB  }
0xbf: {  	_ =	task.clear_ibuf [dreg:s22], $0x4FFFF;
	_ =	strace $0x9000004C  }
0xc0: {  	s29 =	simm.s32 $0xB;
	_ =	strace $0x8000004E  }
0xc1: {  	_ =	swait.ge [sflag:s29], $0x1  }
0xc2: {  	[sflag:s29] =	ssyncadd.s32 $0xFFFFFFFF  }
0xc3: {  	_ =	strace $0x9000004E  }
0xc4: {  	_ =	sfence  }
0xc5: {  	s30 =	sld [smem:$0x0];
	_ =	sdelay $0x2  }
0xc6: {  	s31 =	sshll.u32 s1, $0xD;
	s1 =	sshrl.u32 s1, $0x2  }
0xc7: {  	s4 =	sand.u32 $0x4000, s31;
	s1 =	sadd.s32 s1, s30  }
0xc8: {  	s0 =	sor.u32 s4, s0;
	s1 =	sshll.u32 s1, $0x11  }
0xc9: {  	s0 =	sor.u32 s1, s0  }
0xca: {  	s0 =	sadd.s32 $0x8F2B, s0  }
0xcb: {  	[sflag:s0] =	ssyncadd.remote.s32 $0x1  }
0xcc: {  	_ =	sfence.sel $0xFFFF  }
0xcd: {  	[dreg:$0x0] =	wrdreg $0xFFFFFFFF;
	(pc) =	sbr.abs _section_cstart, $3  }
0xce: {  	[dreg:$0x1] =	wrdreg $0xFFFFFFFF  }
0xcf: {  	_ =	task.clear_ibuf [dreg:s22], $0x2FFFF;
	_ =	strace $0x9FFFFFFF  }
0xd0: {  	(tm) =	ssettm $0x7FFFFFFF  }
0xd1: {  	_ =	shalt  }
tec
execute0_lowered:
.L_overlay_start_1:
0x0: {  	(tag) =	ssettag $0x1  }
0x1: {  	s0 =	srdreg.scid  }
0x2: {  	s0 =	sand.u32 $0x1, s0  }
0x3: {  	s2 =	ssub.s32 $0x2, s0  }
0x4: {  	s3 =	sshrl.u32 s2, $0x1  }
0x5: {  	s2 =	ssub.s32 s2, s3  }
0x6: {  	s1 =	rddreg [dreg:$0x0];
	s5 =	smax.u32 s2, $0x1  }
0x7: {  	s4 =	simm.s32 $0x0;
	s1 =	sadd.s32 $0x18600, s1;
	p0 =	sne.s32 s5, $0x1  }
.Ltmp0:
0x8: {  	s0 =	rddreg [dreg:$0x1];
	_ =	strace $0x8000004D;
	(pc) =	sbr.rel @!p0 .LBB2_2-.Ltmp0, $4  }
0x9: {  	[tilespmem:s4], [sflag:$0x1] =	stream.linear.gather [hbm4b:s1+s4], $0x4000, $0x38;
	[tilespmem:$0x4000] =	vst v63  }
0xa: {  	s3 =	simm.s32 $0x1  }
0xb: {  	_ =	swait.ge [sflag:s3], $0x4000  }
0xc: {  	s2 =	stileid.u32;
	s5 =	sadd.s32 $0xFFFFFFFF, s5;
	[sflag:s3] =	ssyncset.done $0x0  }
.LBB2_1:
0xd: {  	p0 =	sne.s32 s5, $0x1;
	s5 =	sadd.s32 $0xFFFFFFFF, s5;
	[sflag:s3] =	ssyncadd.s32 $0xFFFFC000  }
.Ltmp1:
0xe: {  	(pc) =	sbr.rel @p0 .LBB2_1-.Ltmp1, $4  }
0xf: {  	_ = 	snop  }
0x10: {  	[tilespmem:s4], [sflag:$0x1] =	stream.linear.gather [hbm4b:s1+s4], $0x4000, $0x38;
	[tilespmem:$0x4000] =	vst v63  }
0x11: {  	_ =	swait.ge [sflag:s3], $0x4000  }
0x12: {  	[sflag:s3] =	ssyncset.done $0x0  }
.LBB2_2:
0x13: {  	[sflag:s3] =	ssyncadd.s32 $0xFFFFC000  }
0x14: {  	_ =	sfence.sel $0x180000  }
0x15: {  	[bflag:$0x0] =	sbarrier.arrive $0xFFFF  }
0x16: {  	p0 =	sne.s32 s2, $0x0;
	_ =	strace $0x9000004D  }
0x17: {  	s0 =	sadd.s32 @!p0 $0x100000, s0;
	[bflag:$0x2] =	sbarrier.arrive $0xFFFF  }
0x18: {  	[sflag:s0] =	ssyncadd.tile.s32 @!p0 $0x1;
	_ =	shalt  }
.Lfunc_end2:
_tile_overlayer_lowered:
.L_overlay_start_2:
0x19: {  	(tag) =	ssettag $0x2  }
0x1a: {  	s0 =	rddreg [dreg:$0x0];
	s2 =	stileid.u32  }
0x1b: {  	s1 =	rddreg [dreg:$0x1];
	p0 =	sne.s32 s2, $0x0  }
0x1c: {  	s3 =	rddreg [dreg:$0x2];
	[bflag:$0x3] =	sbarrier.arrive $0xFFFF;
	s2 =	simm.s32 @!p0 $0x1C01  }
0x1d: {  	[timem:s3], [sflag:s2] =	dma.local @!p0 [hbm:s0], s1  }
0x1e: {  	s0 =	simm.s32 @!p0 $0x1  }
0x1f: {  	_ =	swait.ge @!p0 [sflag:s0], s1  }
0x20: {  	s1 =	ssub.s32 @!p0 $0x0, s1;
	[sflag:s0] =	ssyncset.done @!p0 $0x0  }
0x21: {  	[sflag:s0] =	ssyncadd.s32 @!p0 s1  }
0x22: {  	[bflag:$0x3] =	sbarrier.arrive $0xFFFF  }
0x23: {  	_ =	shalt  }

// kernel: _run.19.cloned.1.call-start
scs
__scs_entry_jumppad:
0x0: {  	(pc) =	sbr.rel $0x88, $3  }
0x1: {  	(tag) =	ssettag $0x0;
	lr =	simm.s32 $0x1  }
0x2: {  	[smem:$0x3F9A] =	sst lr;
	_ =	strace $0xD0000000  }
0x3: {  	_ = 	snop  }
0x4: {  	_ = 	snop  }
0x5: {  	_ = 	snop  }
0x6: {  	_ = 	snop  }
0x7: {  	_ = 	snop  }
__scs_overlays_trampoline_lowered:
0x8: {  	[smem:$0x3FA9] =	sst s0  }
0x9: {  	[smem:$0x3FAA] =	sst s1  }
0xa: {  	[smem:$0x3FAB] =	sst s2  }
0xb: {  	[smem:$0x3FAC] =	sst s3  }
0xc: {  	[smem:$0x3FAD] =	sst s4  }
0xd: {  	[smem:$0x3FAE] =	sst s5  }
0xe: {  	[smem:$0x3FAF] =	sst s6  }
0xf: {  	[smem:$0x3FB0] =	sst s7  }
0x10: {  	[smem:$0x3FB1] =	sst s8  }
0x11: {  	[smem:$0x3FB2] =	sst s9;
	s0 =	simm.s32 @!p0 $0x0  }
0x12: {  	s1 =	sld [smem:$0x3F98];
	s0 =	simm.s32 @p0 $0x1  }
0x13: {  	[smem:$0x3FB3] =	sst s0;
	s0 =	simm.s32 @!p1 $0x0  }
0x14: {  	s2 =	sld [smem:$0x3F97];
	s0 =	simm.s32 @p1 $0x1  }
0x15: {  	[smem:$0x3FB4] =	sst s0;
	s0 =	simm.s32 @!p2 $0x0  }
0x16: {  	s3 =	sld [smem:$0x3FDB];
	s0 =	simm.s32 @p2 $0x1  }
0x17: {  	s4 =	simm.s32 $0x1BF5;
	[smem:$0x3FB6] =	sst s0  }
0x18: {  	s0 =	sld [smem:$0x3F99];
	_ =	swait.ge [sflag:s4], $0x0  }
0x19: {  	s7 =	sld [smem:$0x3F9A]  }
0x1a: {  	s8 =	sadd.s32 $0xFFFFE003, lr  }
0x1b: {  	s9 =	sadd.s32 $0xFFFFFEF7, lr;
	s5 =	simm.s32 $0xFFFFFFFF;
	p2 =	slt.u32 s8, $0xFFFFF086  }
0x1c: {  	p1 =	slt.u32 s9, $0xF7A;
	s5 =	simm.s32 @!p2 $0x0  }
0x1d: {  	s5 =	simm.s32 @p1 $0x1;
	p0 =	seq.s32 s7, s2  }
0x1e: {  	s7 =	smul.u32 @!p0 $0xF7A, s2;
	p2 =	seq.s32 @!p0 s5, $0x0  }
0x1f: {  	s9 =	smul.u32 $0xF7A, s1;
	s8 =	simm.s32 @!p0 $0x1BF5;
	p2 =	por !p2, p0  }
0x20: {  	[sflag:s8] =	ssyncset.s32 @!p0 $0xFFFFF086;
	s6 =	sadd.s32 @!p0 s3, s7;
	s7 =	simm.s32 @!p0 $0x108  }
0x21: {  	s3 =	sadd.s32 s3, s9;
	s6 =	sadd.s32 @!p0 $0x88, s6;
	s7 =	simm.s32 @p2 $0x1082  }
0x22: {  	[simem:s7], [sflag:s8] =	dma.local @!p0 [hbm:s6], $0xF7A  }
0x23: {  	s9 =	sor.u32 $0xD0000000, s2;
	s6 =	simm.s32 $0x108;
	_ =	swait.ge @!p0 [sflag:s8], $0x0  }
0x24: {  	s3 =	sadd.s32 $0x88, s3;
	s6 =	simm.s32 @!p1 $0x1082;
	[sflag:s4] =	ssyncset.s32 $0xFFFFF086  }
0x25: {  	[simem:s6], [sflag:s4] =	dma.local [hbm:s3], $0xF7A  }
0x26: {  	[smem:$0x3F9A] =	sst s1;
	(tag) =	ssettag s2;
	_ =	strace s9  }
0x27: {  	s1 =	sld [smem:$0x3FAA]  }
0x28: {  	s2 =	sld [smem:$0x3FAB]  }
0x29: {  	s4 =	sld [smem:$0x3FAD]  }
0x2a: {  	p0 =	seq.s32 s5, $0x0;
	s5 =	sld [smem:$0x3FAE]  }
0x2b: {  	s6 =	sld [smem:$0x3FAF]  }
0x2c: {  	s7 =	sld [smem:$0x3FB0]  }
0x2d: {  	s3 =	simm.s32 $0x108;
	s8 =	sld [smem:$0x3FB1]  }
0x2e: {  	s3 =	simm.s32 @!p0 $0x1082;
	s9 =	sld [smem:$0x3FB2]  }
0x2f: {  	lr =	sadd.s32 s0, s3;
	s0 =	sld [smem:$0x3FA9]  }
0x30: {  	s3 =	sld [smem:$0x3FAC]  }
0x31: {  	[smem:$0x3FB5] =	sst s10  }
0x32: {  	s10 =	sld [smem:$0x3FB3];
	_ =	sdelay $0x3  }
0x33: {  	p0 =	seq.s32 s10, $0x1;
	s10 =	sld [smem:$0x3FB5];
	_ =	sdelay $0x3  }
0x34: {  	[smem:$0x3FB5] =	sst s10  }
0x35: {  	s10 =	sld [smem:$0x3FB4];
	_ =	sdelay $0x3  }
0x36: {  	p1 =	seq.s32 s10, $0x1;
	s10 =	sld [smem:$0x3FB5];
	_ =	sdelay $0x3  }
0x37: {  	[smem:$0x3FB5] =	sst s10  }
0x38: {  	s10 =	sld [smem:$0x3FB6]  }
0x39: {  	_ = 	snop;
	(pc) =	sbr.ind lr, $3  }
0x3a: {  	_ = 	snop  }
0x3b: {  	_ = 	snop  }
0x3c: {  	p2 =	seq.s32 s10, $0x1;
	s10 =	sld [smem:$0x3FB5]  }
0x3d: {  	_ =	shalt  }
0x3e: {  	_ =	shalt  }
0x3f: {  	_ =	shalt  }
0x40: {  	_ =	shalt  }
0x41: {  	_ =	shalt  }
0x42: {  	_ =	shalt  }
0x43: {  	_ =	shalt  }
0x44: {  	_ =	shalt  }
0x45: {  	_ =	shalt  }
0x46: {  	_ =	shalt  }
0x47: {  	_ =	shalt  }
0x48: {  	_ =	shalt  }
0x49: {  	_ =	shalt  }
0x4a: {  	_ =	shalt  }
0x4b: {  	_ =	shalt  }
0x4c: {  	_ =	shalt  }
0x4d: {  	_ =	shalt  }
0x4e: {  	_ =	shalt  }
0x4f: {  	_ =	shalt  }
0x50: {  	_ =	shalt  }
0x51: {  	_ =	shalt  }
0x52: {  	_ =	shalt  }
0x53: {  	_ =	shalt  }
0x54: {  	_ =	shalt  }
0x55: {  	_ =	shalt  }
0x56: {  	_ =	shalt  }
0x57: {  	_ =	shalt  }
0x58: {  	_ =	shalt  }
0x59: {  	_ =	shalt  }
0x5a: {  	_ =	shalt  }
0x5b: {  	_ =	shalt  }
0x5c: {  	_ =	shalt  }
0x5d: {  	_ =	shalt  }
0x5e: {  	_ =	shalt  }
0x5f: {  	_ =	shalt  }
0x60: {  	_ =	shalt  }
0x61: {  	_ =	shalt  }
0x62: {  	_ =	shalt  }
0x63: {  	_ =	shalt  }
0x64: {  	_ =	shalt  }
0x65: {  	_ =	shalt  }
0x66: {  	_ =	shalt  }
0x67: {  	_ =	shalt  }
0x68: {  	_ =	shalt  }
0x69: {  	_ =	shalt  }
0x6a: {  	_ =	shalt  }
0x6b: {  	_ =	shalt  }
0x6c: {  	_ =	shalt  }
0x6d: {  	_ =	shalt  }
0x6e: {  	_ =	shalt  }
0x6f: {  	_ =	shalt  }
0x70: {  	_ =	shalt  }
0x71: {  	_ =	shalt  }
0x72: {  	_ =	shalt  }
0x73: {  	_ =	shalt  }
0x74: {  	_ =	shalt  }
0x75: {  	_ =	shalt  }
0x76: {  	_ =	shalt  }
0x77: {  	_ =	shalt  }
0x78: {  	_ =	shalt  }
0x79: {  	_ =	shalt  }
0x7a: {  	_ =	shalt  }
0x7b: {  	_ =	shalt  }
0x7c: {  	_ =	shalt  }
0x7d: {  	_ =	shalt  }
0x7e: {  	_ =	shalt  }
0x7f: {  	_ =	shalt  }
0x80: {  	_ =	shalt  }
0x81: {  	_ =	shalt  }
0x82: {  	_ =	shalt  }
0x83: {  	_ =	shalt  }
0x84: {  	_ =	shalt  }
0x85: {  	_ =	shalt  }
0x86: {  	_ =	shalt  }
0x87: {  	_ =	shalt  }
.Lfunc_end0:
.L_simem_size_0:
called_computation.3_lowered:
.L_overlay_start_0:
0x88: {  	s2 =	sld [smem:$0x3FD9]  }
0x89: {  	s3 =	sld [smem:$0x3FFE];
	_ =	sdelay $0x1  }
0x8a: {  	s1 =	srdreg.scid  }
0x8b: {  	s0 =	sand.u32 $0x1, s1  }
0x8c: {  	s17 =	sshll.u32 s0, $0xA;
	s2 =	sadd.s32 s3, s2  }
0x8d: {  	s2 =	sadd.s32 s2, s17  }
0x8e: {  	[smem:$0x3FC1] =	sst s2  }
0x8f: {  	_ = 	snop  }
0x90: {  	(tm) =	ssettm $0x1  }
0x91: {  	s18 =	sld [smem:$0x3FFB];
	_ =	sdelay $0x3  }
0x92: {  	_ =	strace s18  }
0x93: {  	s2 =	sld [smem:$0x3FFC];
	_ =	sdelay $0x3  }
0x94: {  	_ =	strace s2  }
0x95: {  	s2 =	sld [smem:$0x3FFD];
	_ =	sdelay $0x3  }
0x96: {  	_ =	strace s2  }
0x97: {  	_ =	strace $0x8FFFFFFF  }
0x98: {  	s19 =	sld [smem:$0x3FDB];
	_ =	sdelay $0x1  }
0x99: {  	s20 =	simm.s32 $_scs_section_size  }
0x9a: {  	s4 =	simm.s32 $_size__tile_overlayer_lowered;
	s5 =	simm.s32 $_tile_overlayer_lowered  }
0x9b: {  	s6 =	simm.s32 $0x1BFF;
	s21 =	sshll.u32 s5, $0x1;
	s3 =	sadd.s32 s20, s19  }
0x9c: {  	s22 =	simm.s32 $0x0;
	s4 =	sshll.u32 s4, $0x1;
	s5 =	sadd.s32 s21, s3  }
0x9d: {  	[timem:s22], [sflag:s6] =	dma.local [hbm:s5], s4  }
0x9e: {  	_ =	swait.ge [sflag:s6], s4  }
0x9f: {  	s4 =	ssub.s32 $0x0, s4;
	[sflag:s6] =	ssyncset.done $0x0  }
0xa0: {  	[sflag:s6] =	ssyncadd.s32 s4;
	_ =	sdelay $0x1  }
0xa1: {  	s23 =	simm.s32 $0x1B8B  }
0xa2: {  	_ =	swait.ge [sflag:s23], $0x1  }
0xa3: {  	[sflag:s23] =	ssyncset.done $0x0  }
0xa4: {  	[sflag:s23] =	ssyncadd.s32 $0xFFFFFFFF  }
0xa5: {  	s4 =	sld [smem:$0x0]  }
0xa6: {  	s5 =	sand.u32 $0xFFFFFFFE, s1  }
0xa7: {  	p0 =	sne.s32 s1, s5  }
0xa8: {  	s5 =	sshll.u32 @p0 s5, $0xE  }
0xa9: {  	s5 =	sadd.s32 @p0 $0x11B8D, s5;
	s6 =	sshll.u32 @p0 s4, $0x11  }
0xaa: {  	s5 =	sor.u32 @p0 s6, s5  }
0xab: {  	[sflag:s5] =	ssyncadd.remote.s32 @p0 $0x1;
	_ =	sdelay $0x1  }
0xac: {  	s5 =	simm.s32 @p0 $0x1B8D  }
0xad: {  	_ =	swait.eq @p0 [sflag:s5], $0x1  }
0xae: {  	[sflag:s5] =	ssyncadd.s32 @p0 $0xFFFFFFFF  }
0xaf: {  	s6 =	sshll.u32 @!p0 s1, $0xE  }
0xb0: {  	s6 =	sor.u32 @!p0 $0x4000, s6;
	s5 =	simm.s32 @!p0 $0x1B8D  }
0xb1: {  	s4 =	sshll.u32 @!p0 s4, $0x11;
	s6 =	sadd.s32 @!p0 $0x11B8D, s6;
	_ =	swait.eq @!p0 [sflag:s5], $0x1  }
0xb2: {  	s4 =	sor.u32 @!p0 s4, s6;
	[sflag:s5] =	ssyncadd.s32 @!p0 $0xFFFFFFFF  }
0xb3: {  	s25 =	simm.s32 $0x1B8E;
	s24 =	sld [smem:$0x3FFE];
	[sflag:s4] =	ssyncadd.remote.s32 @!p0 $0x1  }
0xb4: {  	s26 =	simm.s32 $execute0_lowered;
	[smem:$0x3FD2] =	sst s25  }
0xb5: {  	s5 =	sshll.u32 s26, $0x1;
	_ =	strace $0x8000004F;
	[dreg:$0x1] =	wrdreg $0xFFFFFFFF  }
0xb6: {  	s28 =	simm.s32 $_size_execute0_lowered;
	s3 =	sadd.s32 s3, s5;
	[dreg:$0x0] =	wrdreg $0x0  }
0xb7: {  	s5 =	sshll.u32 s28, $0x1;
	[dreg:$0x2] =	wrdreg s3  }
0xb8: {  	[dreg:$0x3] =	wrdreg s5  }
0xb9: {  	[dreg:$0x4] =	wrdreg $0xC0  }
0xba: {  	_ =	task [dreg:s22], $0x5FFFF  }
0xbb: {  	[dreg:$0x1] =	wrdreg $0xFFFFFFFF  }
0xbc: {  	[dreg:$0x0] =	wrdreg $0x60  }
0xbd: {  	[dreg:$0x2] =	wrdreg s24  }
0xbe: {  	[dreg:$0x3] =	wrdreg $0xC  }
0xbf: {  	_ =	task.clear_ibuf [dreg:s22], $0x4FFFF;
	_ =	strace $0x9000004F  }
0xc0: {  	s29 =	simm.s32 $0xC;
	_ =	strace $0x80000051  }
0xc1: {  	_ =	swait.ge [sflag:s29], $0x1  }
0xc2: {  	[sflag:s29] =	ssyncadd.s32 $0xFFFFFFFF  }
0xc3: {  	_ =	strace $0x90000051  }
0xc4: {  	_ =	sfence  }
0xc5: {  	s30 =	sld [smem:$0x0];
	_ =	sdelay $0x2  }
0xc6: {  	s31 =	sshll.u32 s1, $0xD;
	s1 =	sshrl.u32 s1, $0x2  }
0xc7: {  	s4 =	sand.u32 $0x4000, s31;
	s1 =	sadd.s32 s1, s30  }
0xc8: {  	s0 =	sor.u32 s4, s0;
	s1 =	sshll.u32 s1, $0x11  }
0xc9: {  	s0 =	sor.u32 s1, s0  }
0xca: {  	s0 =	sadd.s32 $0x8F2B, s0  }
0xcb: {  	[sflag:s0] =	ssyncadd.remote.s32 $0x1  }
0xcc: {  	_ =	sfence.sel $0xFFFF  }
0xcd: {  	[dreg:$0x0] =	wrdreg $0xFFFFFFFF;
	(pc) =	sbr.abs _section_cstart, $3  }
0xce: {  	[dreg:$0x1] =	wrdreg $0xFFFFFFFF  }
0xcf: {  	_ =	task.clear_ibuf [dreg:s22], $0x2FFFF;
	_ =	strace $0x9FFFFFFF  }
0xd0: {  	(tm) =	ssettm $0x7FFFFFFF  }
0xd1: {  	_ =	shalt  }
tec
execute0_lowered:
.L_overlay_start_1:
0x0: {  	(tag) =	ssettag $0x1  }
0x1: {  	s0 =	srdreg.scid  }
0x2: {  	s0 =	sand.u32 $0x1, s0  }
0x3: {  	s2 =	ssub.s32 $0x2, s0  }
0x4: {  	s3 =	sshrl.u32 s2, $0x1  }
0x5: {  	s2 =	ssub.s32 s2, s3  }
0x6: {  	s1 =	rddreg [dreg:$0x0];
	s5 =	smax.u32 s2, $0x1  }
0x7: {  	s4 =	simm.s32 $0x0;
	s1 =	sadd.s32 $0x18600, s1;
	p0 =	sne.s32 s5, $0x1  }
.Ltmp0:
0x8: {  	s0 =	rddreg [dreg:$0x1];
	_ =	strace $0x80000050;
	(pc) =	sbr.rel @!p0 .LBB2_2-.Ltmp0, $4  }
0x9: {  	[tilespmem:s4], [sflag:$0x1] =	stream.linear.gather [hbm4b:s1+s4], $0x4000, $0x38;
	[tilespmem:$0x4000] =	vst v63  }
0xa: {  	s3 =	simm.s32 $0x1  }
0xb: {  	_ =	swait.ge [sflag:s3], $0x4000  }
0xc: {  	s2 =	stileid.u32;
	s5 =	sadd.s32 $0xFFFFFFFF, s5;
	[sflag:s3] =	ssyncset.done $0x0  }
.LBB2_1:
0xd: {  	p0 =	sne.s32 s5, $0x1;
	s5 =	sadd.s32 $0xFFFFFFFF, s5;
	[sflag:s3] =	ssyncadd.s32 $0xFFFFC000  }
.Ltmp1:
0xe: {  	(pc) =	sbr.rel @p0 .LBB2_1-.Ltmp1, $4  }
0xf: {  	_ = 	snop  }
0x10: {  	[tilespmem:s4], [sflag:$0x1] =	stream.linear.gather [hbm4b:s1+s4], $0x4000, $0x38;
	[tilespmem:$0x4000] =	vst v63  }
0x11: {  	_ =	swait.ge [sflag:s3], $0x4000  }
0x12: {  	[sflag:s3] =	ssyncset.done $0x0  }
.LBB2_2:
0x13: {  	[sflag:s3] =	ssyncadd.s32 $0xFFFFC000  }
0x14: {  	_ =	sfence.sel $0x180000  }
0x15: {  	[bflag:$0x0] =	sbarrier.arrive $0xFFFF  }
0x16: {  	p0 =	sne.s32 s2, $0x0;
	_ =	strace $0x90000050  }
0x17: {  	s0 =	sadd.s32 @!p0 $0x100000, s0;
	[bflag:$0x2] =	sbarrier.arrive $0xFFFF  }
0x18: {  	[sflag:s0] =	ssyncadd.tile.s32 @!p0 $0x1;
	_ =	shalt  }
.Lfunc_end2:
_tile_overlayer_lowered:
.L_overlay_start_2:
0x19: {  	(tag) =	ssettag $0x2  }
0x1a: {  	s0 =	rddreg [dreg:$0x0];
	s2 =	stileid.u32  }
0x1b: {  	s1 =	rddreg [dreg:$0x1];
	p0 =	sne.s32 s2, $0x0  }
0x1c: {  	s3 =	rddreg [dreg:$0x2];
	[bflag:$0x3] =	sbarrier.arrive $0xFFFF;
	s2 =	simm.s32 @!p0 $0x1C01  }
0x1d: {  	[timem:s3], [sflag:s2] =	dma.local @!p0 [hbm:s0], s1  }
0x1e: {  	s0 =	simm.s32 @!p0 $0x1  }
0x1f: {  	_ =	swait.ge @!p0 [sflag:s0], s1  }
0x20: {  	s1 =	ssub.s32 @!p0 $0x0, s1;
	[sflag:s0] =	ssyncset.done @!p0 $0x0  }
0x21: {  	[sflag:s0] =	ssyncadd.s32 @!p0 s1  }
0x22: {  	[bflag:$0x3] =	sbarrier.arrive $0xFFFF  }
0x23: {  	_ =	shalt  }

</sc_bundles>
